<compile_context>
chip_gen: v7x
topology: tpu7x:2x2x1
jax: 0.10.2.dev20260603
libtpu: 0.0.44.dev20260713+nightly
codegen_flags: <defaults>
</compile_context>

<pallas_src>
import jax
import jax.numpy as jnp
from jax import lax
from jax.experimental import pallas as pl
from jax.experimental.pallas import tpu as pltpu
from jax.experimental.pallas import tpu_sc as plsc

NC, NS, L = 2, 16, 16
NW = NC * NS

BATCH = 4
SEQ = 8192
DM = 1024
ROWS_PER_W = SEQ // NW
CHUNK = 8
NCH = ROWS_PER_W // CHUNK


def _sc_body(x_hbm, pe_hbm, out_hbm,
             pe_b0, pe_b1,
             x_b0, x_b1, x_b2, x_b3, x_b4, x_b5, x_b6, x_b7,
             pe_s0, pe_s1,
             xi_s0, xi_s1, xi_s2, xi_s3, xi_s4, xi_s5, xi_s6, xi_s7,
             xo_s0, xo_s1, xo_s2, xo_s3, xo_s4, xo_s5, xo_s6, xo_s7):
    wid = lax.axis_index("s") * NC + lax.axis_index("c")
    base = wid * ROWS_PER_W
    pe_bufs = (pe_b0, pe_b1)
    pe_sems = (pe_s0, pe_s1)
    x_bufs = (x_b0, x_b1, x_b2, x_b3, x_b4, x_b5, x_b6, x_b7)
    xi_sems = (xi_s0, xi_s1, xi_s2, xi_s3, xi_s4, xi_s5, xi_s6, xi_s7)
    xo_sems = (xo_s0, xo_s1, xo_s2, xo_s3, xo_s4, xo_s5, xo_s6, xo_s7)

    def pe_copy(cc, g):
        return pltpu.make_async_copy(
            pe_hbm.at[pl.ds(base + cc * CHUNK, CHUNK)], pe_bufs[g],
            pe_sems[g])

    def x_in_copy(cc, b, g):
        return pltpu.make_async_copy(
            x_hbm.at[b, pl.ds(base + cc * CHUNK, CHUNK)],
            x_bufs[g * BATCH + b], xi_sems[g * BATCH + b])

    def x_out_copy(cc, b, g):
        return pltpu.make_async_copy(
            x_bufs[g * BATCH + b], out_hbm.at[b, pl.ds(base + cc * CHUNK, CHUNK)],
            xo_sems[g * BATCH + b])

    pe_copy(0, 0).start()
    for b in range(BATCH):
        x_in_copy(0, b, 0).start()

    def outer(it, carry):
        for g in range(2):
            cc = it * 2 + g
            pl.when(cc + 1 < NCH)(lambda: pe_copy(cc + 1, 1 - g).start())
            pe_copy(cc, g).wait()
            for b in range(BATCH):
                x_in_copy(cc, b, g).wait()

            def prefetch():
                for b in range(BATCH):
                    pl.when(cc >= 1)(lambda b=b: x_out_copy(cc - 1, b, 1 - g).wait())
                    x_in_copy(cc + 1, b, 1 - g).start()
            pl.when(cc + 1 < NCH)(prefetch)

            pb = pe_bufs[g]
            xg = tuple(x_bufs[g * BATCH + b] for b in range(BATCH))

            del pb, xg

            for b in range(BATCH):
                x_out_copy(cc, b, g).start()
        return carry

    lax.fori_loop(0, NCH // 2, outer, 0, unroll=False)

    for g in range(2):
        for b in range(BATCH):
            x_out_copy(NCH - 2 + g, b, g).wait()


def kernel(x, pe):
    batch, seq_len, d_model = x.shape
    f = pl.kernel(
        _sc_body,
        out_type=jax.ShapeDtypeStruct((batch, seq_len, d_model), x.dtype),
        mesh=plsc.VectorSubcoreMesh(core_axis_name="c", subcore_axis_name="s"),
        scratch_types=(
            [pltpu.VMEM((CHUNK, DM), jnp.float32)] * 10
            + [pltpu.SemaphoreType.DMA] * 18
        ),
    )
    return f(x, pe)

# --- scband reference (transcript-rebuilt; emitter-appended) ---
"""Pipeline reference for scband-static-positional-embedding-24807731102338 (READ-ONLY COPY).

The authoritative reference and input builder live on the scoring server;
editing this copy changes nothing except your own understanding.
"""

import jax, jax.numpy as jnp
import numpy as np

D_MODEL = 1024
MAX_LEN = 8192
BATCH = 4
SEQ_LEN = 8192


def setup_inputs(seed: int = 0) -> dict:
    key = jax.random.key(seed)
    k1, k2 = jax.random.split(key)
    x = jax.random.normal(k1, (BATCH, SEQ_LEN, D_MODEL), dtype=jnp.float32)
    # nn.Embedding default init: N(0, 1)
    pe = jax.random.normal(k2, (MAX_LEN, D_MODEL), dtype=jnp.float32)
    return {"x": x, "pe": pe}


def reference(x, pe):
    batch_size, seq_len, d_model = x.shape
    pos = jnp.arange(seq_len)  # [S]
    pos = jnp.broadcast_to(pos[None, :], (batch_size, seq_len))  # [B, S]
    emb = jnp.take(pe, pos, axis=0)  # [B, S, D] gather
    return x + emb

if __name__ == "__main__":
    import jax
    _d = setup_inputs()
    print(jax.jit(kernel)(*tuple(_d.values())))

</pallas_src>

<mosaic_0001>
#map = affine_map<(d0, d1) -> (0, 0, 0)>
#map1 = affine_map<(d0, d1) -> (0, 0)>
module attributes {stable_mosaic.version = 14 : i64} {
  func.func @_sc_body(%arg0: i32, %arg1: i32, %arg2: memref<4x8192x1024xf32, #tpu.memory_space<hbm>>, %arg3: memref<8192x1024xf32, #tpu.memory_space<hbm>>, %arg4: memref<4x8192x1024xf32, #tpu.memory_space<hbm>>, %arg5: memref<8x1024xf32, #tpu.memory_space<vmem>>, %arg6: memref<8x1024xf32, #tpu.memory_space<vmem>>, %arg7: memref<8x1024xf32, #tpu.memory_space<vmem>>, %arg8: memref<8x1024xf32, #tpu.memory_space<vmem>>, %arg9: memref<8x1024xf32, #tpu.memory_space<vmem>>, %arg10: memref<8x1024xf32, #tpu.memory_space<vmem>>, %arg11: memref<8x1024xf32, #tpu.memory_space<vmem>>, %arg12: memref<8x1024xf32, #tpu.memory_space<vmem>>, %arg13: memref<8x1024xf32, #tpu.memory_space<vmem>>, %arg14: memref<8x1024xf32, #tpu.memory_space<vmem>>, %arg15: memref<!tpu.dma_semaphore, #tpu.memory_space<semaphore_mem>>, %arg16: memref<!tpu.dma_semaphore, #tpu.memory_space<semaphore_mem>>, %arg17: memref<!tpu.dma_semaphore, #tpu.memory_space<semaphore_mem>>, %arg18: memref<!tpu.dma_semaphore, #tpu.memory_space<semaphore_mem>>, %arg19: memref<!tpu.dma_semaphore, #tpu.memory_space<semaphore_mem>>, %arg20: memref<!tpu.dma_semaphore, #tpu.memory_space<semaphore_mem>>, %arg21: memref<!tpu.dma_semaphore, #tpu.memory_space<semaphore_mem>>, %arg22: memref<!tpu.dma_semaphore, #tpu.memory_space<semaphore_mem>>, %arg23: memref<!tpu.dma_semaphore, #tpu.memory_space<semaphore_mem>>, %arg24: memref<!tpu.dma_semaphore, #tpu.memory_space<semaphore_mem>>, %arg25: memref<!tpu.dma_semaphore, #tpu.memory_space<semaphore_mem>>, %arg26: memref<!tpu.dma_semaphore, #tpu.memory_space<semaphore_mem>>, %arg27: memref<!tpu.dma_semaphore, #tpu.memory_space<semaphore_mem>>, %arg28: memref<!tpu.dma_semaphore, #tpu.memory_space<semaphore_mem>>, %arg29: memref<!tpu.dma_semaphore, #tpu.memory_space<semaphore_mem>>, %arg30: memref<!tpu.dma_semaphore, #tpu.memory_space<semaphore_mem>>, %arg31: memref<!tpu.dma_semaphore, #tpu.memory_space<semaphore_mem>>, %arg32: memref<!tpu.dma_semaphore, #tpu.memory_space<semaphore_mem>>) attributes {dimension_semantics = [#tpu.dimension_semantics<core_parallel>, #tpu.dimension_semantics<subcore_parallel>], iteration_bounds = array<i64: 2, 16>, scalar_prefetch = 0 : i64, scratch_operands = 28 : i64, tpu.core_type = #tpu.core_type<sc_vector_subcore>, window_params = [{transform_indices = #map}, {transform_indices = #map1}, {transform_indices = #map}]} {
    %mul3A = arith.constant 2 : i32
    %mul3A_0 = arith.muli %arg1, %mul3A : i32
    %add3A = arith.addi %mul3A_0, %arg0 : i32
    %mul3A_1 = arith.constant 256 : i32
    %mul3A_2 = arith.muli %add3A, %mul3A_1 : i32
    %add3A_3 = arith.constant 0 : i32
    %add3A_4 = arith.addi %mul3A_2, %add3A_3 : i32
    %dma_start3A = arith.constant 0 : i32
    %dma_start3A_5 = tpu.memref_slice %arg3[%add3A_4, %dma_start3A] : memref<8192x1024xf32, #tpu.memory_space<hbm>> -> memref<8x1024xf32, #tpu.memory_space<hbm>>
    %dma_start3A_6 = arith.constant 0 : i32
    %dma_start3A_7 = tpu.memref_slice %arg3[%add3A_4, %dma_start3A_6] : memref<8192x1024xf32, #tpu.memory_space<hbm>> -> memref<8x1024xf32, #tpu.memory_space<hbm>>
    tpu.enqueue_dma source(%dma_start3A_7 : memref<8x1024xf32, #tpu.memory_space<hbm>>) target(%arg5 : memref<8x1024xf32, #tpu.memory_space<vmem>>) target_semaphore(%arg15 : memref<!tpu.dma_semaphore, #tpu.memory_space<semaphore_mem>>)
    %add3A_8 = arith.constant 0 : i32
    %add3A_9 = arith.addi %mul3A_2, %add3A_8 : i32
    %dma_start3A_10 = arith.constant 0 : i32
    %dma_start3A_11 = arith.constant 0 : i32
    %dma_start3A_12 = tpu.memref_slice %arg2[%dma_start3A_10, %add3A_9, %dma_start3A_11] : memref<4x8192x1024xf32, #tpu.memory_space<hbm>> -> memref<1x8x1024xf32, #tpu.memory_space<hbm>>
    %dma_start3A_13 = tpu.memref_squeeze %dma_start3A_12 : memref<1x8x1024xf32, #tpu.memory_space<hbm>> -> memref<8x1024xf32, #tpu.memory_space<hbm>>
    %dma_start3A_14 = arith.constant 0 : i32
    %dma_start3A_15 = tpu.memref_slice %arg2[%dma_start3A_10, %add3A_9, %dma_start3A_14] : memref<4x8192x1024xf32, #tpu.memory_space<hbm>> -> memref<1x8x1024xf32, #tpu.memory_space<hbm>>
    %dma_start3A_16 = tpu.memref_squeeze %dma_start3A_15 : memref<1x8x1024xf32, #tpu.memory_space<hbm>> -> memref<8x1024xf32, #tpu.memory_space<hbm>>
    tpu.enqueue_dma source(%dma_start3A_16 : memref<8x1024xf32, #tpu.memory_space<hbm>>) target(%arg7 : memref<8x1024xf32, #tpu.memory_space<vmem>>) target_semaphore(%arg17 : memref<!tpu.dma_semaphore, #tpu.memory_space<semaphore_mem>>)
    %add3A_17 = arith.constant 0 : i32
    %add3A_18 = arith.addi %mul3A_2, %add3A_17 : i32
    %dma_start3A_19 = arith.constant 1 : i32
    %dma_start3A_20 = arith.constant 0 : i32
    %dma_start3A_21 = tpu.memref_slice %arg2[%dma_start3A_19, %add3A_18, %dma_start3A_20] : memref<4x8192x1024xf32, #tpu.memory_space<hbm>> -> memref<1x8x1024xf32, #tpu.memory_space<hbm>>
    %dma_start3A_22 = tpu.memref_squeeze %dma_start3A_21 : memref<1x8x1024xf32, #tpu.memory_space<hbm>> -> memref<8x1024xf32, #tpu.memory_space<hbm>>
    %dma_start3A_23 = arith.constant 0 : i32
    %dma_start3A_24 = tpu.memref_slice %arg2[%dma_start3A_19, %add3A_18, %dma_start3A_23] : memref<4x8192x1024xf32, #tpu.memory_space<hbm>> -> memref<1x8x1024xf32, #tpu.memory_space<hbm>>
    %dma_start3A_25 = tpu.memref_squeeze %dma_start3A_24 : memref<1x8x1024xf32, #tpu.memory_space<hbm>> -> memref<8x1024xf32, #tpu.memory_space<hbm>>
    tpu.enqueue_dma source(%dma_start3A_25 : memref<8x1024xf32, #tpu.memory_space<hbm>>) target(%arg8 : memref<8x1024xf32, #tpu.memory_space<vmem>>) target_semaphore(%arg18 : memref<!tpu.dma_semaphore, #tpu.memory_space<semaphore_mem>>)
    %add3A_26 = arith.constant 0 : i32
    %add3A_27 = arith.addi %mul3A_2, %add3A_26 : i32
    %dma_start3A_28 = arith.constant 2 : i32
    %dma_start3A_29 = arith.constant 0 : i32
    %dma_start3A_30 = tpu.memref_slice %arg2[%dma_start3A_28, %add3A_27, %dma_start3A_29] : memref<4x8192x1024xf32, #tpu.memory_space<hbm>> -> memref<1x8x1024xf32, #tpu.memory_space<hbm>>
    %dma_start3A_31 = tpu.memref_squeeze %dma_start3A_30 : memref<1x8x1024xf32, #tpu.memory_space<hbm>> -> memref<8x1024xf32, #tpu.memory_space<hbm>>
    %dma_start3A_32 = arith.constant 0 : i32
    %dma_start3A_33 = tpu.memref_slice %arg2[%dma_start3A_28, %add3A_27, %dma_start3A_32] : memref<4x8192x1024xf32, #tpu.memory_space<hbm>> -> memref<1x8x1024xf32, #tpu.memory_space<hbm>>
    %dma_start3A_34 = tpu.memref_squeeze %dma_start3A_33 : memref<1x8x1024xf32, #tpu.memory_space<hbm>> -> memref<8x1024xf32, #tpu.memory_space<hbm>>
    tpu.enqueue_dma source(%dma_start3A_34 : memref<8x1024xf32, #tpu.memory_space<hbm>>) target(%arg9 : memref<8x1024xf32, #tpu.memory_space<vmem>>) target_semaphore(%arg19 : memref<!tpu.dma_semaphore, #tpu.memory_space<semaphore_mem>>)
    %add3A_35 = arith.constant 0 : i32
    %add3A_36 = arith.addi %mul3A_2, %add3A_35 : i32
    %dma_start3A_37 = arith.constant 3 : i32
    %dma_start3A_38 = arith.constant 0 : i32
    %dma_start3A_39 = tpu.memref_slice %arg2[%dma_start3A_37, %add3A_36, %dma_start3A_38] : memref<4x8192x1024xf32, #tpu.memory_space<hbm>> -> memref<1x8x1024xf32, #tpu.memory_space<hbm>>
    %dma_start3A_40 = tpu.memref_squeeze %dma_start3A_39 : memref<1x8x1024xf32, #tpu.memory_space<hbm>> -> memref<8x1024xf32, #tpu.memory_space<hbm>>
    %dma_start3A_41 = arith.constant 0 : i32
    %dma_start3A_42 = tpu.memref_slice %arg2[%dma_start3A_37, %add3A_36, %dma_start3A_41] : memref<4x8192x1024xf32, #tpu.memory_space<hbm>> -> memref<1x8x1024xf32, #tpu.memory_space<hbm>>
    %dma_start3A_43 = tpu.memref_squeeze %dma_start3A_42 : memref<1x8x1024xf32, #tpu.memory_space<hbm>> -> memref<8x1024xf32, #tpu.memory_space<hbm>>
    tpu.enqueue_dma source(%dma_start3A_43 : memref<8x1024xf32, #tpu.memory_space<hbm>>) target(%arg10 : memref<8x1024xf32, #tpu.memory_space<vmem>>) target_semaphore(%arg20 : memref<!tpu.dma_semaphore, #tpu.memory_space<semaphore_mem>>)
    %scan3A = arith.constant 0 : i32
    %scan3A_44 = arith.constant 0 : i32
    %scan3A_45 = arith.constant 16 : i32
    %scan3A_46 = arith.addi %scan3A_44, %scan3A_45 : i32
    %scan3A_47 = arith.constant 1 : i32
    scf.for %scan3A_120 = %scan3A_44 to %scan3A_46 step %scan3A_47  : i32 {
      %mul3A_121 = arith.constant 2 : i32
      %mul3A_122 = arith.muli %scan3A_120, %mul3A_121 : i32
      %add3A_123 = arith.constant 0 : i32
      %add3A_124 = arith.addi %mul3A_122, %add3A_123 : i32
      %add3A_125 = arith.constant 1 : i32
      %add3A_126 = arith.addi %add3A_124, %add3A_125 : i32
      %lt3A = arith.constant 32 : i32
      %lt3A_127 = arith.cmpi slt, %add3A_126, %lt3A : i32
      %convert_element_type3A = arith.extui %lt3A_127 : i1 to i32
      %cond3A = arith.constant 0 : i32
      %cond3A_128 = arith.cmpi ne, %convert_element_type3A, %cond3A : i32
      scf.if %cond3A_128 {
        %add3A_328 = arith.constant 1 : i32
        %add3A_329 = arith.addi %add3A_124, %add3A_328 : i32
        %mul3A_330 = arith.constant 8 : i32
        %mul3A_331 = arith.muli %add3A_329, %mul3A_330 : i32
        %add3A_332 = arith.addi %mul3A_2, %mul3A_331 : i32
        %dma_start3A_333 = arith.constant 0 : i32
        %dma_start3A_334 = tpu.memref_slice %arg3[%add3A_332, %dma_start3A_333] : memref<8192x1024xf32, #tpu.memory_space<hbm>> -> memref<8x1024xf32, #tpu.memory_space<hbm>>
        %dma_start3A_335 = arith.constant 0 : i32
        %dma_start3A_336 = tpu.memref_slice %arg3[%add3A_332, %dma_start3A_335] : memref<8192x1024xf32, #tpu.memory_space<hbm>> -> memref<8x1024xf32, #tpu.memory_space<hbm>>
        tpu.enqueue_dma source(%dma_start3A_336 : memref<8x1024xf32, #tpu.memory_space<hbm>>) target(%arg6 : memref<8x1024xf32, #tpu.memory_space<vmem>>) target_semaphore(%arg16 : memref<!tpu.dma_semaphore, #tpu.memory_space<semaphore_mem>>)
      } else {
      }
      %mul3A_129 = arith.constant 8 : i32
      %mul3A_130 = arith.muli %add3A_124, %mul3A_129 : i32
      %add3A_131 = arith.addi %mul3A_2, %mul3A_130 : i32
      %dma_wait3A_132 = arith.constant 0 : i32
      %dma_wait3A_133 = tpu.memref_slice %arg3[%add3A_131, %dma_wait3A_132] : memref<8192x1024xf32, #tpu.memory_space<hbm>> -> memref<8x1024xf32, #tpu.memory_space<hbm>>
      %dma_wait3A_134 = arith.constant 0 : i32
      %dma_wait3A_135 = tpu.memref_slice %arg3[%add3A_131, %dma_wait3A_134] : memref<8192x1024xf32, #tpu.memory_space<hbm>> -> memref<8x1024xf32, #tpu.memory_space<hbm>>
      tpu.wait_dma2 semaphore(%arg15 : memref<!tpu.dma_semaphore, #tpu.memory_space<semaphore_mem>>) src(%dma_wait3A_135 : memref<8x1024xf32, #tpu.memory_space<hbm>>) dst(%arg5 : memref<8x1024xf32, #tpu.memory_space<vmem>>)
      %mul3A_136 = arith.constant 8 : i32
      %mul3A_137 = arith.muli %add3A_124, %mul3A_136 : i32
      %add3A_138 = arith.addi %mul3A_2, %mul3A_137 : i32
      %dma_wait3A_139 = arith.constant 0 : i32
      %dma_wait3A_140 = arith.constant 0 : i32
      %dma_wait3A_141 = tpu.memref_slice %arg2[%dma_wait3A_139, %add3A_138, %dma_wait3A_140] : memref<4x8192x1024xf32, #tpu.memory_space<hbm>> -> memref<1x8x1024xf32, #tpu.memory_space<hbm>>
      %dma_wait3A_142 = tpu.memref_squeeze %dma_wait3A_141 : memref<1x8x1024xf32, #tpu.memory_space<hbm>> -> memref<8x1024xf32, #tpu.memory_space<hbm>>
      %dma_wait3A_143 = arith.constant 0 : i32
      %dma_wait3A_144 = tpu.memref_slice %arg2[%dma_wait3A_139, %add3A_138, %dma_wait3A_143] : memref<4x8192x1024xf32, #tpu.memory_space<hbm>> -> memref<1x8x1024xf32, #tpu.memory_space<hbm>>
      %dma_wait3A_145 = tpu.memref_squeeze %dma_wait3A_144 : memref<1x8x1024xf32, #tpu.memory_space<hbm>> -> memref<8x1024xf32, #tpu.memory_space<hbm>>
      tpu.wait_dma2 semaphore(%arg17 : memref<!tpu.dma_semaphore, #tpu.memory_space<semaphore_mem>>) src(%dma_wait3A_145 : memref<8x1024xf32, #tpu.memory_space<hbm>>) dst(%arg7 : memref<8x1024xf32, #tpu.memory_space<vmem>>)
      %mul3A_146 = arith.constant 8 : i32
      %mul3A_147 = arith.muli %add3A_124, %mul3A_146 : i32
      %add3A_148 = arith.addi %mul3A_2, %mul3A_147 : i32
      %dma_wait3A_149 = arith.constant 1 : i32
      %dma_wait3A_150 = arith.constant 0 : i32
      %dma_wait3A_151 = tpu.memref_slice %arg2[%dma_wait3A_149, %add3A_148, %dma_wait3A_150] : memref<4x8192x1024xf32, #tpu.memory_space<hbm>> -> memref<1x8x1024xf32, #tpu.memory_space<hbm>>
      %dma_wait3A_152 = tpu.memref_squeeze %dma_wait3A_151 : memref<1x8x1024xf32, #tpu.memory_space<hbm>> -> memref<8x1024xf32, #tpu.memory_space<hbm>>
      %dma_wait3A_153 = arith.constant 0 : i32
      %dma_wait3A_154 = tpu.memref_slice %arg2[%dma_wait3A_149, %add3A_148, %dma_wait3A_153] : memref<4x8192x1024xf32, #tpu.memory_space<hbm>> -> memref<1x8x1024xf32, #tpu.memory_space<hbm>>
      %dma_wait3A_155 = tpu.memref_squeeze %dma_wait3A_154 : memref<1x8x1024xf32, #tpu.memory_space<hbm>> -> memref<8x1024xf32, #tpu.memory_space<hbm>>
      tpu.wait_dma2 semaphore(%arg18 : memref<!tpu.dma_semaphore, #tpu.memory_space<semaphore_mem>>) src(%dma_wait3A_155 : memref<8x1024xf32, #tpu.memory_space<hbm>>) dst(%arg8 : memref<8x1024xf32, #tpu.memory_space<vmem>>)
      %mul3A_156 = arith.constant 8 : i32
      %mul3A_157 = arith.muli %add3A_124, %mul3A_156 : i32
      %add3A_158 = arith.addi %mul3A_2, %mul3A_157 : i32
      %dma_wait3A_159 = arith.constant 2 : i32
      %dma_wait3A_160 = arith.constant 0 : i32
      %dma_wait3A_161 = tpu.memref_slice %arg2[%dma_wait3A_159, %add3A_158, %dma_wait3A_160] : memref<4x8192x1024xf32, #tpu.memory_space<hbm>> -> memref<1x8x1024xf32, #tpu.memory_space<hbm>>
      %dma_wait3A_162 = tpu.memref_squeeze %dma_wait3A_161 : memref<1x8x1024xf32, #tpu.memory_space<hbm>> -> memref<8x1024xf32, #tpu.memory_space<hbm>>
      %dma_wait3A_163 = arith.constant 0 : i32
      %dma_wait3A_164 = tpu.memref_slice %arg2[%dma_wait3A_159, %add3A_158, %dma_wait3A_163] : memref<4x8192x1024xf32, #tpu.memory_space<hbm>> -> memref<1x8x1024xf32, #tpu.memory_space<hbm>>
      %dma_wait3A_165 = tpu.memref_squeeze %dma_wait3A_164 : memref<1x8x1024xf32, #tpu.memory_space<hbm>> -> memref<8x1024xf32, #tpu.memory_space<hbm>>
      tpu.wait_dma2 semaphore(%arg19 : memref<!tpu.dma_semaphore, #tpu.memory_space<semaphore_mem>>) src(%dma_wait3A_165 : memref<8x1024xf32, #tpu.memory_space<hbm>>) dst(%arg9 : memref<8x1024xf32, #tpu.memory_space<vmem>>)
      %mul3A_166 = arith.constant 8 : i32
      %mul3A_167 = arith.muli %add3A_124, %mul3A_166 : i32
      %add3A_168 = arith.addi %mul3A_2, %mul3A_167 : i32
      %dma_wait3A_169 = arith.constant 3 : i32
      %dma_wait3A_170 = arith.constant 0 : i32
      %dma_wait3A_171 = tpu.memref_slice %arg2[%dma_wait3A_169, %add3A_168, %dma_wait3A_170] : memref<4x8192x1024xf32, #tpu.memory_space<hbm>> -> memref<1x8x1024xf32, #tpu.memory_space<hbm>>
      %dma_wait3A_172 = tpu.memref_squeeze %dma_wait3A_171 : memref<1x8x1024xf32, #tpu.memory_space<hbm>> -> memref<8x1024xf32, #tpu.memory_space<hbm>>
      %dma_wait3A_173 = arith.constant 0 : i32
      %dma_wait3A_174 = tpu.memref_slice %arg2[%dma_wait3A_169, %add3A_168, %dma_wait3A_173] : memref<4x8192x1024xf32, #tpu.memory_space<hbm>> -> memref<1x8x1024xf32, #tpu.memory_space<hbm>>
      %dma_wait3A_175 = tpu.memref_squeeze %dma_wait3A_174 : memref<1x8x1024xf32, #tpu.memory_space<hbm>> -> memref<8x1024xf32, #tpu.memory_space<hbm>>
      tpu.wait_dma2 semaphore(%arg20 : memref<!tpu.dma_semaphore, #tpu.memory_space<semaphore_mem>>) src(%dma_wait3A_175 : memref<8x1024xf32, #tpu.memory_space<hbm>>) dst(%arg10 : memref<8x1024xf32, #tpu.memory_space<vmem>>)
      %add3A_176 = arith.constant 1 : i32
      %add3A_177 = arith.addi %add3A_124, %add3A_176 : i32
      %lt3A_178 = arith.constant 32 : i32
      %lt3A_179 = arith.cmpi slt, %add3A_177, %lt3A_178 : i32
      %convert_element_type3A_180 = arith.extui %lt3A_179 : i1 to i32
      %cond3A_181 = arith.constant 0 : i32
      %cond3A_182 = arith.cmpi ne, %convert_element_type3A_180, %cond3A_181 : i32
      scf.if %cond3A_182 {
        %ge3A = arith.constant 1 : i32
        %ge3A_328 = arith.cmpi sge, %add3A_124, %ge3A : i32
        %convert_element_type3A_329 = arith.extui %ge3A_328 : i1 to i32
        %cond3A_330 = arith.constant 0 : i32
        %cond3A_331 = arith.cmpi ne, %convert_element_type3A_329, %cond3A_330 : i32
        scf.if %cond3A_331 {
          %sub3A = arith.constant 1 : i32
          %sub3A_395 = arith.subi %add3A_124, %sub3A : i32
          %mul3A_396 = arith.constant 8 : i32
          %mul3A_397 = arith.muli %sub3A_395, %mul3A_396 : i32
          %add3A_398 = arith.addi %mul3A_2, %mul3A_397 : i32
          %dma_wait3A_399 = arith.constant 0 : i32
          %dma_wait3A_400 = arith.constant 0 : i32
          %dma_wait3A_401 = tpu.memref_slice %arg4[%dma_wait3A_399, %add3A_398, %dma_wait3A_400] : memref<4x8192x1024xf32, #tpu.memory_space<hbm>> -> memref<1x8x1024xf32, #tpu.memory_space<hbm>>
          %dma_wait3A_402 = tpu.memref_squeeze %dma_wait3A_401 : memref<1x8x1024xf32, #tpu.memory_space<hbm>> -> memref<8x1024xf32, #tpu.memory_space<hbm>>
          %dma_wait3A_403 = arith.constant 0 : i32
          %dma_wait3A_404 = tpu.memref_slice %arg4[%dma_wait3A_399, %add3A_398, %dma_wait3A_403] : memref<4x8192x1024xf32, #tpu.memory_space<hbm>> -> memref<1x8x1024xf32, #tpu.memory_space<hbm>>
          %dma_wait3A_405 = tpu.memref_squeeze %dma_wait3A_404 : memref<1x8x1024xf32, #tpu.memory_space<hbm>> -> memref<8x1024xf32, #tpu.memory_space<hbm>>
          tpu.wait_dma2 semaphore(%arg29 : memref<!tpu.dma_semaphore, #tpu.memory_space<semaphore_mem>>) src(%arg11 : memref<8x1024xf32, #tpu.memory_space<vmem>>) dst(%dma_wait3A_405 : memref<8x1024xf32, #tpu.memory_space<hbm>>)
        } else {
        }
        %add3A_332 = arith.constant 1 : i32
        %add3A_333 = arith.addi %add3A_124, %add3A_332 : i32
        %mul3A_334 = arith.constant 8 : i32
        %mul3A_335 = arith.muli %add3A_333, %mul3A_334 : i32
        %add3A_336 = arith.addi %mul3A_2, %mul3A_335 : i32
        %dma_start3A_337 = arith.constant 0 : i32
        %dma_start3A_338 = arith.constant 0 : i32
        %dma_start3A_339 = tpu.memref_slice %arg2[%dma_start3A_337, %add3A_336, %dma_start3A_338] : memref<4x8192x1024xf32, #tpu.memory_space<hbm>> -> memref<1x8x1024xf32, #tpu.memory_space<hbm>>
        %dma_start3A_340 = tpu.memref_squeeze %dma_start3A_339 : memref<1x8x1024xf32, #tpu.memory_space<hbm>> -> memref<8x1024xf32, #tpu.memory_space<hbm>>
        %dma_start3A_341 = arith.constant 0 : i32
        %dma_start3A_342 = tpu.memref_slice %arg2[%dma_start3A_337, %add3A_336, %dma_start3A_341] : memref<4x8192x1024xf32, #tpu.memory_space<hbm>> -> memref<1x8x1024xf32, #tpu.memory_space<hbm>>
        %dma_start3A_343 = tpu.memref_squeeze %dma_start3A_342 : memref<1x8x1024xf32, #tpu.memory_space<hbm>> -> memref<8x1024xf32, #tpu.memory_space<hbm>>
        tpu.enqueue_dma source(%dma_start3A_343 : memref<8x1024xf32, #tpu.memory_space<hbm>>) target(%arg11 : memref<8x1024xf32, #tpu.memory_space<vmem>>) target_semaphore(%arg21 : memref<!tpu.dma_semaphore, #tpu.memory_space<semaphore_mem>>)
        %ge3A_344 = arith.constant 1 : i32
        %ge3A_345 = arith.cmpi sge, %add3A_124, %ge3A_344 : i32
        %convert_element_type3A_346 = arith.extui %ge3A_345 : i1 to i32
        %cond3A_347 = arith.constant 0 : i32
        %cond3A_348 = arith.cmpi ne, %convert_element_type3A_346, %cond3A_347 : i32
        scf.if %cond3A_348 {
          %sub3A = arith.constant 1 : i32
          %sub3A_395 = arith.subi %add3A_124, %sub3A : i32
          %mul3A_396 = arith.constant 8 : i32
          %mul3A_397 = arith.muli %sub3A_395, %mul3A_396 : i32
          %add3A_398 = arith.addi %mul3A_2, %mul3A_397 : i32
          %dma_wait3A_399 = arith.constant 1 : i32
          %dma_wait3A_400 = arith.constant 0 : i32
          %dma_wait3A_401 = tpu.memref_slice %arg4[%dma_wait3A_399, %add3A_398, %dma_wait3A_400] : memref<4x8192x1024xf32, #tpu.memory_space<hbm>> -> memref<1x8x1024xf32, #tpu.memory_space<hbm>>
          %dma_wait3A_402 = tpu.memref_squeeze %dma_wait3A_401 : memref<1x8x1024xf32, #tpu.memory_space<hbm>> -> memref<8x1024xf32, #tpu.memory_space<hbm>>
          %dma_wait3A_403 = arith.constant 0 : i32
          %dma_wait3A_404 = tpu.memref_slice %arg4[%dma_wait3A_399, %add3A_398, %dma_wait3A_403] : memref<4x8192x1024xf32, #tpu.memory_space<hbm>> -> memref<1x8x1024xf32, #tpu.memory_space<hbm>>
          %dma_wait3A_405 = tpu.memref_squeeze %dma_wait3A_404 : memref<1x8x1024xf32, #tpu.memory_space<hbm>> -> memref<8x1024xf32, #tpu.memory_space<hbm>>
          tpu.wait_dma2 semaphore(%arg30 : memref<!tpu.dma_semaphore, #tpu.memory_space<semaphore_mem>>) src(%arg12 : memref<8x1024xf32, #tpu.memory_space<vmem>>) dst(%dma_wait3A_405 : memref<8x1024xf32, #tpu.memory_space<hbm>>)
        } else {
        }
        %add3A_349 = arith.constant 1 : i32
        %add3A_350 = arith.addi %add3A_124, %add3A_349 : i32
        %mul3A_351 = arith.constant 8 : i32
        %mul3A_352 = arith.muli %add3A_350, %mul3A_351 : i32
        %add3A_353 = arith.addi %mul3A_2, %mul3A_352 : i32
        %dma_start3A_354 = arith.constant 1 : i32
        %dma_start3A_355 = arith.constant 0 : i32
        %dma_start3A_356 = tpu.memref_slice %arg2[%dma_start3A_354, %add3A_353, %dma_start3A_355] : memref<4x8192x1024xf32, #tpu.memory_space<hbm>> -> memref<1x8x1024xf32, #tpu.memory_space<hbm>>
        %dma_start3A_357 = tpu.memref_squeeze %dma_start3A_356 : memref<1x8x1024xf32, #tpu.memory_space<hbm>> -> memref<8x1024xf32, #tpu.memory_space<hbm>>
        %dma_start3A_358 = arith.constant 0 : i32
        %dma_start3A_359 = tpu.memref_slice %arg2[%dma_start3A_354, %add3A_353, %dma_start3A_358] : memref<4x8192x1024xf32, #tpu.memory_space<hbm>> -> memref<1x8x1024xf32, #tpu.memory_space<hbm>>
        %dma_start3A_360 = tpu.memref_squeeze %dma_start3A_359 : memref<1x8x1024xf32, #tpu.memory_space<hbm>> -> memref<8x1024xf32, #tpu.memory_space<hbm>>
        tpu.enqueue_dma source(%dma_start3A_360 : memref<8x1024xf32, #tpu.memory_space<hbm>>) target(%arg12 : memref<8x1024xf32, #tpu.memory_space<vmem>>) target_semaphore(%arg22 : memref<!tpu.dma_semaphore, #tpu.memory_space<semaphore_mem>>)
        %ge3A_361 = arith.constant 1 : i32
        %ge3A_362 = arith.cmpi sge, %add3A_124, %ge3A_361 : i32
        %convert_element_type3A_363 = arith.extui %ge3A_362 : i1 to i32
        %cond3A_364 = arith.constant 0 : i32
        %cond3A_365 = arith.cmpi ne, %convert_element_type3A_363, %cond3A_364 : i32
        scf.if %cond3A_365 {
          %sub3A = arith.constant 1 : i32
          %sub3A_395 = arith.subi %add3A_124, %sub3A : i32
          %mul3A_396 = arith.constant 8 : i32
          %mul3A_397 = arith.muli %sub3A_395, %mul3A_396 : i32
          %add3A_398 = arith.addi %mul3A_2, %mul3A_397 : i32
          %dma_wait3A_399 = arith.constant 2 : i32
          %dma_wait3A_400 = arith.constant 0 : i32
          %dma_wait3A_401 = tpu.memref_slice %arg4[%dma_wait3A_399, %add3A_398, %dma_wait3A_400] : memref<4x8192x1024xf32, #tpu.memory_space<hbm>> -> memref<1x8x1024xf32, #tpu.memory_space<hbm>>
          %dma_wait3A_402 = tpu.memref_squeeze %dma_wait3A_401 : memref<1x8x1024xf32, #tpu.memory_space<hbm>> -> memref<8x1024xf32, #tpu.memory_space<hbm>>
          %dma_wait3A_403 = arith.constant 0 : i32
          %dma_wait3A_404 = tpu.memref_slice %arg4[%dma_wait3A_399, %add3A_398, %dma_wait3A_403] : memref<4x8192x1024xf32, #tpu.memory_space<hbm>> -> memref<1x8x1024xf32, #tpu.memory_space<hbm>>
          %dma_wait3A_405 = tpu.memref_squeeze %dma_wait3A_404 : memref<1x8x1024xf32, #tpu.memory_space<hbm>> -> memref<8x1024xf32, #tpu.memory_space<hbm>>
          tpu.wait_dma2 semaphore(%arg31 : memref<!tpu.dma_semaphore, #tpu.memory_space<semaphore_mem>>) src(%arg13 : memref<8x1024xf32, #tpu.memory_space<vmem>>) dst(%dma_wait3A_405 : memref<8x1024xf32, #tpu.memory_space<hbm>>)
        } else {
        }
        %add3A_366 = arith.constant 1 : i32
        %add3A_367 = arith.addi %add3A_124, %add3A_366 : i32
        %mul3A_368 = arith.constant 8 : i32
        %mul3A_369 = arith.muli %add3A_367, %mul3A_368 : i32
        %add3A_370 = arith.addi %mul3A_2, %mul3A_369 : i32
        %dma_start3A_371 = arith.constant 2 : i32
        %dma_start3A_372 = arith.constant 0 : i32
        %dma_start3A_373 = tpu.memref_slice %arg2[%dma_start3A_371, %add3A_370, %dma_start3A_372] : memref<4x8192x1024xf32, #tpu.memory_space<hbm>> -> memref<1x8x1024xf32, #tpu.memory_space<hbm>>
        %dma_start3A_374 = tpu.memref_squeeze %dma_start3A_373 : memref<1x8x1024xf32, #tpu.memory_space<hbm>> -> memref<8x1024xf32, #tpu.memory_space<hbm>>
        %dma_start3A_375 = arith.constant 0 : i32
        %dma_start3A_376 = tpu.memref_slice %arg2[%dma_start3A_371, %add3A_370, %dma_start3A_375] : memref<4x8192x1024xf32, #tpu.memory_space<hbm>> -> memref<1x8x1024xf32, #tpu.memory_space<hbm>>
        %dma_start3A_377 = tpu.memref_squeeze %dma_start3A_376 : memref<1x8x1024xf32, #tpu.memory_space<hbm>> -> memref<8x1024xf32, #tpu.memory_space<hbm>>
        tpu.enqueue_dma source(%dma_start3A_377 : memref<8x1024xf32, #tpu.memory_space<hbm>>) target(%arg13 : memref<8x1024xf32, #tpu.memory_space<vmem>>) target_semaphore(%arg23 : memref<!tpu.dma_semaphore, #tpu.memory_space<semaphore_mem>>)
        %ge3A_378 = arith.constant 1 : i32
        %ge3A_379 = arith.cmpi sge, %add3A_124, %ge3A_378 : i32
        %convert_element_type3A_380 = arith.extui %ge3A_379 : i1 to i32
        %cond3A_381 = arith.constant 0 : i32
        %cond3A_382 = arith.cmpi ne, %convert_element_type3A_380, %cond3A_381 : i32
        scf.if %cond3A_382 {
          %sub3A = arith.constant 1 : i32
          %sub3A_395 = arith.subi %add3A_124, %sub3A : i32
          %mul3A_396 = arith.constant 8 : i32
          %mul3A_397 = arith.muli %sub3A_395, %mul3A_396 : i32
          %add3A_398 = arith.addi %mul3A_2, %mul3A_397 : i32
          %dma_wait3A_399 = arith.constant 3 : i32
          %dma_wait3A_400 = arith.constant 0 : i32
          %dma_wait3A_401 = tpu.memref_slice %arg4[%dma_wait3A_399, %add3A_398, %dma_wait3A_400] : memref<4x8192x1024xf32, #tpu.memory_space<hbm>> -> memref<1x8x1024xf32, #tpu.memory_space<hbm>>
          %dma_wait3A_402 = tpu.memref_squeeze %dma_wait3A_401 : memref<1x8x1024xf32, #tpu.memory_space<hbm>> -> memref<8x1024xf32, #tpu.memory_space<hbm>>
          %dma_wait3A_403 = arith.constant 0 : i32
          %dma_wait3A_404 = tpu.memref_slice %arg4[%dma_wait3A_399, %add3A_398, %dma_wait3A_403] : memref<4x8192x1024xf32, #tpu.memory_space<hbm>> -> memref<1x8x1024xf32, #tpu.memory_space<hbm>>
          %dma_wait3A_405 = tpu.memref_squeeze %dma_wait3A_404 : memref<1x8x1024xf32, #tpu.memory_space<hbm>> -> memref<8x1024xf32, #tpu.memory_space<hbm>>
          tpu.wait_dma2 semaphore(%arg32 : memref<!tpu.dma_semaphore, #tpu.memory_space<semaphore_mem>>) src(%arg14 : memref<8x1024xf32, #tpu.memory_space<vmem>>) dst(%dma_wait3A_405 : memref<8x1024xf32, #tpu.memory_space<hbm>>)
        } else {
        }
        %add3A_383 = arith.constant 1 : i32
        %add3A_384 = arith.addi %add3A_124, %add3A_383 : i32
        %mul3A_385 = arith.constant 8 : i32
        %mul3A_386 = arith.muli %add3A_384, %mul3A_385 : i32
        %add3A_387 = arith.addi %mul3A_2, %mul3A_386 : i32
        %dma_start3A_388 = arith.constant 3 : i32
        %dma_start3A_389 = arith.constant 0 : i32
        %dma_start3A_390 = tpu.memref_slice %arg2[%dma_start3A_388, %add3A_387, %dma_start3A_389] : memref<4x8192x1024xf32, #tpu.memory_space<hbm>> -> memref<1x8x1024xf32, #tpu.memory_space<hbm>>
        %dma_start3A_391 = tpu.memref_squeeze %dma_start3A_390 : memref<1x8x1024xf32, #tpu.memory_space<hbm>> -> memref<8x1024xf32, #tpu.memory_space<hbm>>
        %dma_start3A_392 = arith.constant 0 : i32
        %dma_start3A_393 = tpu.memref_slice %arg2[%dma_start3A_388, %add3A_387, %dma_start3A_392] : memref<4x8192x1024xf32, #tpu.memory_space<hbm>> -> memref<1x8x1024xf32, #tpu.memory_space<hbm>>
        %dma_start3A_394 = tpu.memref_squeeze %dma_start3A_393 : memref<1x8x1024xf32, #tpu.memory_space<hbm>> -> memref<8x1024xf32, #tpu.memory_space<hbm>>
        tpu.enqueue_dma source(%dma_start3A_394 : memref<8x1024xf32, #tpu.memory_space<hbm>>) target(%arg14 : memref<8x1024xf32, #tpu.memory_space<vmem>>) target_semaphore(%arg24 : memref<!tpu.dma_semaphore, #tpu.memory_space<semaphore_mem>>)
      } else {
      }
      %mul3A_183 = arith.constant 8 : i32
      %mul3A_184 = arith.muli %add3A_124, %mul3A_183 : i32
      %add3A_185 = arith.addi %mul3A_2, %mul3A_184 : i32
      %dma_start3A_186 = arith.constant 0 : i32
      %dma_start3A_187 = arith.constant 0 : i32
      %dma_start3A_188 = tpu.memref_slice %arg4[%dma_start3A_186, %add3A_185, %dma_start3A_187] : memref<4x8192x1024xf32, #tpu.memory_space<hbm>> -> memref<1x8x1024xf32, #tpu.memory_space<hbm>>
      %dma_start3A_189 = tpu.memref_squeeze %dma_start3A_188 : memref<1x8x1024xf32, #tpu.memory_space<hbm>> -> memref<8x1024xf32, #tpu.memory_space<hbm>>
      %dma_start3A_190 = arith.constant 0 : i32
      %dma_start3A_191 = tpu.memref_slice %arg4[%dma_start3A_186, %add3A_185, %dma_start3A_190] : memref<4x8192x1024xf32, #tpu.memory_space<hbm>> -> memref<1x8x1024xf32, #tpu.memory_space<hbm>>
      %dma_start3A_192 = tpu.memref_squeeze %dma_start3A_191 : memref<1x8x1024xf32, #tpu.memory_space<hbm>> -> memref<8x1024xf32, #tpu.memory_space<hbm>>
      tpu.enqueue_dma source(%arg7 : memref<8x1024xf32, #tpu.memory_space<vmem>>) target(%dma_start3A_192 : memref<8x1024xf32, #tpu.memory_space<hbm>>) target_semaphore(%arg25 : memref<!tpu.dma_semaphore, #tpu.memory_space<semaphore_mem>>)
      %mul3A_193 = arith.constant 8 : i32
      %mul3A_194 = arith.muli %add3A_124, %mul3A_193 : i32
      %add3A_195 = arith.addi %mul3A_2, %mul3A_194 : i32
      %dma_start3A_196 = arith.constant 1 : i32
      %dma_start3A_197 = arith.constant 0 : i32
      %dma_start3A_198 = tpu.memref_slice %arg4[%dma_start3A_196, %add3A_195, %dma_start3A_197] : memref<4x8192x1024xf32, #tpu.memory_space<hbm>> -> memref<1x8x1024xf32, #tpu.memory_space<hbm>>
      %dma_start3A_199 = tpu.memref_squeeze %dma_start3A_198 : memref<1x8x1024xf32, #tpu.memory_space<hbm>> -> memref<8x1024xf32, #tpu.memory_space<hbm>>
      %dma_start3A_200 = arith.constant 0 : i32
      %dma_start3A_201 = tpu.memref_slice %arg4[%dma_start3A_196, %add3A_195, %dma_start3A_200] : memref<4x8192x1024xf32, #tpu.memory_space<hbm>> -> memref<1x8x1024xf32, #tpu.memory_space<hbm>>
      %dma_start3A_202 = tpu.memref_squeeze %dma_start3A_201 : memref<1x8x1024xf32, #tpu.memory_space<hbm>> -> memref<8x1024xf32, #tpu.memory_space<hbm>>
      tpu.enqueue_dma source(%arg8 : memref<8x1024xf32, #tpu.memory_space<vmem>>) target(%dma_start3A_202 : memref<8x1024xf32, #tpu.memory_space<hbm>>) target_semaphore(%arg26 : memref<!tpu.dma_semaphore, #tpu.memory_space<semaphore_mem>>)
      %mul3A_203 = arith.constant 8 : i32
      %mul3A_204 = arith.muli %add3A_124, %mul3A_203 : i32
      %add3A_205 = arith.addi %mul3A_2, %mul3A_204 : i32
      %dma_start3A_206 = arith.constant 2 : i32
      %dma_start3A_207 = arith.constant 0 : i32
      %dma_start3A_208 = tpu.memref_slice %arg4[%dma_start3A_206, %add3A_205, %dma_start3A_207] : memref<4x8192x1024xf32, #tpu.memory_space<hbm>> -> memref<1x8x1024xf32, #tpu.memory_space<hbm>>
      %dma_start3A_209 = tpu.memref_squeeze %dma_start3A_208 : memref<1x8x1024xf32, #tpu.memory_space<hbm>> -> memref<8x1024xf32, #tpu.memory_space<hbm>>
      %dma_start3A_210 = arith.constant 0 : i32
      %dma_start3A_211 = tpu.memref_slice %arg4[%dma_start3A_206, %add3A_205, %dma_start3A_210] : memref<4x8192x1024xf32, #tpu.memory_space<hbm>> -> memref<1x8x1024xf32, #tpu.memory_space<hbm>>
      %dma_start3A_212 = tpu.memref_squeeze %dma_start3A_211 : memref<1x8x1024xf32, #tpu.memory_space<hbm>> -> memref<8x1024xf32, #tpu.memory_space<hbm>>
      tpu.enqueue_dma source(%arg9 : memref<8x1024xf32, #tpu.memory_space<vmem>>) target(%dma_start3A_212 : memref<8x1024xf32, #tpu.memory_space<hbm>>) target_semaphore(%arg27 : memref<!tpu.dma_semaphore, #tpu.memory_space<semaphore_mem>>)
      %mul3A_213 = arith.constant 8 : i32
      %mul3A_214 = arith.muli %add3A_124, %mul3A_213 : i32
      %add3A_215 = arith.addi %mul3A_2, %mul3A_214 : i32
      %dma_start3A_216 = arith.constant 3 : i32
      %dma_start3A_217 = arith.constant 0 : i32
      %dma_start3A_218 = tpu.memref_slice %arg4[%dma_start3A_216, %add3A_215, %dma_start3A_217] : memref<4x8192x1024xf32, #tpu.memory_space<hbm>> -> memref<1x8x1024xf32, #tpu.memory_space<hbm>>
      %dma_start3A_219 = tpu.memref_squeeze %dma_start3A_218 : memref<1x8x1024xf32, #tpu.memory_space<hbm>> -> memref<8x1024xf32, #tpu.memory_space<hbm>>
      %dma_start3A_220 = arith.constant 0 : i32
      %dma_start3A_221 = tpu.memref_slice %arg4[%dma_start3A_216, %add3A_215, %dma_start3A_220] : memref<4x8192x1024xf32, #tpu.memory_space<hbm>> -> memref<1x8x1024xf32, #tpu.memory_space<hbm>>
      %dma_start3A_222 = tpu.memref_squeeze %dma_start3A_221 : memref<1x8x1024xf32, #tpu.memory_space<hbm>> -> memref<8x1024xf32, #tpu.memory_space<hbm>>
      tpu.enqueue_dma source(%arg10 : memref<8x1024xf32, #tpu.memory_space<vmem>>) target(%dma_start3A_222 : memref<8x1024xf32, #tpu.memory_space<hbm>>) target_semaphore(%arg28 : memref<!tpu.dma_semaphore, #tpu.memory_space<semaphore_mem>>)
      %mul3A_223 = arith.constant 2 : i32
      %mul3A_224 = arith.muli %scan3A_120, %mul3A_223 : i32
      %add3A_225 = arith.constant 1 : i32
      %add3A_226 = arith.addi %mul3A_224, %add3A_225 : i32
      %add3A_227 = arith.constant 1 : i32
      %add3A_228 = arith.addi %add3A_226, %add3A_227 : i32
      %lt3A_229 = arith.constant 32 : i32
      %lt3A_230 = arith.cmpi slt, %add3A_228, %lt3A_229 : i32
      %convert_element_type3A_231 = arith.extui %lt3A_230 : i1 to i32
      %cond3A_232 = arith.constant 0 : i32
      %cond3A_233 = arith.cmpi ne, %convert_element_type3A_231, %cond3A_232 : i32
      scf.if %cond3A_233 {
        %add3A_328 = arith.constant 1 : i32
        %add3A_329 = arith.addi %add3A_226, %add3A_328 : i32
        %mul3A_330 = arith.constant 8 : i32
        %mul3A_331 = arith.muli %add3A_329, %mul3A_330 : i32
        %add3A_332 = arith.addi %mul3A_2, %mul3A_331 : i32
        %dma_start3A_333 = arith.constant 0 : i32
        %dma_start3A_334 = tpu.memref_slice %arg3[%add3A_332, %dma_start3A_333] : memref<8192x1024xf32, #tpu.memory_space<hbm>> -> memref<8x1024xf32, #tpu.memory_space<hbm>>
        %dma_start3A_335 = arith.constant 0 : i32
        %dma_start3A_336 = tpu.memref_slice %arg3[%add3A_332, %dma_start3A_335] : memref<8192x1024xf32, #tpu.memory_space<hbm>> -> memref<8x1024xf32, #tpu.memory_space<hbm>>
        tpu.enqueue_dma source(%dma_start3A_336 : memref<8x1024xf32, #tpu.memory_space<hbm>>) target(%arg5 : memref<8x1024xf32, #tpu.memory_space<vmem>>) target_semaphore(%arg15 : memref<!tpu.dma_semaphore, #tpu.memory_space<semaphore_mem>>)
      } else {
      }
      %mul3A_234 = arith.constant 8 : i32
      %mul3A_235 = arith.muli %add3A_226, %mul3A_234 : i32
      %add3A_236 = arith.addi %mul3A_2, %mul3A_235 : i32
      %dma_wait3A_237 = arith.constant 0 : i32
      %dma_wait3A_238 = tpu.memref_slice %arg3[%add3A_236, %dma_wait3A_237] : memref<8192x1024xf32, #tpu.memory_space<hbm>> -> memref<8x1024xf32, #tpu.memory_space<hbm>>
      %dma_wait3A_239 = arith.constant 0 : i32
      %dma_wait3A_240 = tpu.memref_slice %arg3[%add3A_236, %dma_wait3A_239] : memref<8192x1024xf32, #tpu.memory_space<hbm>> -> memref<8x1024xf32, #tpu.memory_space<hbm>>
      tpu.wait_dma2 semaphore(%arg16 : memref<!tpu.dma_semaphore, #tpu.memory_space<semaphore_mem>>) src(%dma_wait3A_240 : memref<8x1024xf32, #tpu.memory_space<hbm>>) dst(%arg6 : memref<8x1024xf32, #tpu.memory_space<vmem>>)
      %mul3A_241 = arith.constant 8 : i32
      %mul3A_242 = arith.muli %add3A_226, %mul3A_241 : i32
      %add3A_243 = arith.addi %mul3A_2, %mul3A_242 : i32
      %dma_wait3A_244 = arith.constant 0 : i32
      %dma_wait3A_245 = arith.constant 0 : i32
      %dma_wait3A_246 = tpu.memref_slice %arg2[%dma_wait3A_244, %add3A_243, %dma_wait3A_245] : memref<4x8192x1024xf32, #tpu.memory_space<hbm>> -> memref<1x8x1024xf32, #tpu.memory_space<hbm>>
      %dma_wait3A_247 = tpu.memref_squeeze %dma_wait3A_246 : memref<1x8x1024xf32, #tpu.memory_space<hbm>> -> memref<8x1024xf32, #tpu.memory_space<hbm>>
      %dma_wait3A_248 = arith.constant 0 : i32
      %dma_wait3A_249 = tpu.memref_slice %arg2[%dma_wait3A_244, %add3A_243, %dma_wait3A_248] : memref<4x8192x1024xf32, #tpu.memory_space<hbm>> -> memref<1x8x1024xf32, #tpu.memory_space<hbm>>
      %dma_wait3A_250 = tpu.memref_squeeze %dma_wait3A_249 : memref<1x8x1024xf32, #tpu.memory_space<hbm>> -> memref<8x1024xf32, #tpu.memory_space<hbm>>
      tpu.wait_dma2 semaphore(%arg21 : memref<!tpu.dma_semaphore, #tpu.memory_space<semaphore_mem>>) src(%dma_wait3A_250 : memref<8x1024xf32, #tpu.memory_space<hbm>>) dst(%arg11 : memref<8x1024xf32, #tpu.memory_space<vmem>>)
      %mul3A_251 = arith.constant 8 : i32
      %mul3A_252 = arith.muli %add3A_226, %mul3A_251 : i32
      %add3A_253 = arith.addi %mul3A_2, %mul3A_252 : i32
      %dma_wait3A_254 = arith.constant 1 : i32
      %dma_wait3A_255 = arith.constant 0 : i32
      %dma_wait3A_256 = tpu.memref_slice %arg2[%dma_wait3A_254, %add3A_253, %dma_wait3A_255] : memref<4x8192x1024xf32, #tpu.memory_space<hbm>> -> memref<1x8x1024xf32, #tpu.memory_space<hbm>>
      %dma_wait3A_257 = tpu.memref_squeeze %dma_wait3A_256 : memref<1x8x1024xf32, #tpu.memory_space<hbm>> -> memref<8x1024xf32, #tpu.memory_space<hbm>>
      %dma_wait3A_258 = arith.constant 0 : i32
      %dma_wait3A_259 = tpu.memref_slice %arg2[%dma_wait3A_254, %add3A_253, %dma_wait3A_258] : memref<4x8192x1024xf32, #tpu.memory_space<hbm>> -> memref<1x8x1024xf32, #tpu.memory_space<hbm>>
      %dma_wait3A_260 = tpu.memref_squeeze %dma_wait3A_259 : memref<1x8x1024xf32, #tpu.memory_space<hbm>> -> memref<8x1024xf32, #tpu.memory_space<hbm>>
      tpu.wait_dma2 semaphore(%arg22 : memref<!tpu.dma_semaphore, #tpu.memory_space<semaphore_mem>>) src(%dma_wait3A_260 : memref<8x1024xf32, #tpu.memory_space<hbm>>) dst(%arg12 : memref<8x1024xf32, #tpu.memory_space<vmem>>)
      %mul3A_261 = arith.constant 8 : i32
      %mul3A_262 = arith.muli %add3A_226, %mul3A_261 : i32
      %add3A_263 = arith.addi %mul3A_2, %mul3A_262 : i32
      %dma_wait3A_264 = arith.constant 2 : i32
      %dma_wait3A_265 = arith.constant 0 : i32
      %dma_wait3A_266 = tpu.memref_slice %arg2[%dma_wait3A_264, %add3A_263, %dma_wait3A_265] : memref<4x8192x1024xf32, #tpu.memory_space<hbm>> -> memref<1x8x1024xf32, #tpu.memory_space<hbm>>
      %dma_wait3A_267 = tpu.memref_squeeze %dma_wait3A_266 : memref<1x8x1024xf32, #tpu.memory_space<hbm>> -> memref<8x1024xf32, #tpu.memory_space<hbm>>
      %dma_wait3A_268 = arith.constant 0 : i32
      %dma_wait3A_269 = tpu.memref_slice %arg2[%dma_wait3A_264, %add3A_263, %dma_wait3A_268] : memref<4x8192x1024xf32, #tpu.memory_space<hbm>> -> memref<1x8x1024xf32, #tpu.memory_space<hbm>>
      %dma_wait3A_270 = tpu.memref_squeeze %dma_wait3A_269 : memref<1x8x1024xf32, #tpu.memory_space<hbm>> -> memref<8x1024xf32, #tpu.memory_space<hbm>>
      tpu.wait_dma2 semaphore(%arg23 : memref<!tpu.dma_semaphore, #tpu.memory_space<semaphore_mem>>) src(%dma_wait3A_270 : memref<8x1024xf32, #tpu.memory_space<hbm>>) dst(%arg13 : memref<8x1024xf32, #tpu.memory_space<vmem>>)
      %mul3A_271 = arith.constant 8 : i32
      %mul3A_272 = arith.muli %add3A_226, %mul3A_271 : i32
      %add3A_273 = arith.addi %mul3A_2, %mul3A_272 : i32
      %dma_wait3A_274 = arith.constant 3 : i32
      %dma_wait3A_275 = arith.constant 0 : i32
      %dma_wait3A_276 = tpu.memref_slice %arg2[%dma_wait3A_274, %add3A_273, %dma_wait3A_275] : memref<4x8192x1024xf32, #tpu.memory_space<hbm>> -> memref<1x8x1024xf32, #tpu.memory_space<hbm>>
      %dma_wait3A_277 = tpu.memref_squeeze %dma_wait3A_276 : memref<1x8x1024xf32, #tpu.memory_space<hbm>> -> memref<8x1024xf32, #tpu.memory_space<hbm>>
      %dma_wait3A_278 = arith.constant 0 : i32
      %dma_wait3A_279 = tpu.memref_slice %arg2[%dma_wait3A_274, %add3A_273, %dma_wait3A_278] : memref<4x8192x1024xf32, #tpu.memory_space<hbm>> -> memref<1x8x1024xf32, #tpu.memory_space<hbm>>
      %dma_wait3A_280 = tpu.memref_squeeze %dma_wait3A_279 : memref<1x8x1024xf32, #tpu.memory_space<hbm>> -> memref<8x1024xf32, #tpu.memory_space<hbm>>
      tpu.wait_dma2 semaphore(%arg24 : memref<!tpu.dma_semaphore, #tpu.memory_space<semaphore_mem>>) src(%dma_wait3A_280 : memref<8x1024xf32, #tpu.memory_space<hbm>>) dst(%arg14 : memref<8x1024xf32, #tpu.memory_space<vmem>>)
      %add3A_281 = arith.constant 1 : i32
      %add3A_282 = arith.addi %add3A_226, %add3A_281 : i32
      %lt3A_283 = arith.constant 32 : i32
      %lt3A_284 = arith.cmpi slt, %add3A_282, %lt3A_283 : i32
      %convert_element_type3A_285 = arith.extui %lt3A_284 : i1 to i32
      %cond3A_286 = arith.constant 0 : i32
      %cond3A_287 = arith.cmpi ne, %convert_element_type3A_285, %cond3A_286 : i32
      scf.if %cond3A_287 {
        %ge3A = arith.constant 1 : i32
        %ge3A_328 = arith.cmpi sge, %add3A_226, %ge3A : i32
        %convert_element_type3A_329 = arith.extui %ge3A_328 : i1 to i32
        %cond3A_330 = arith.constant 0 : i32
        %cond3A_331 = arith.cmpi ne, %convert_element_type3A_329, %cond3A_330 : i32
        scf.if %cond3A_331 {
          %sub3A = arith.constant 1 : i32
          %sub3A_395 = arith.subi %add3A_226, %sub3A : i32
          %mul3A_396 = arith.constant 8 : i32
          %mul3A_397 = arith.muli %sub3A_395, %mul3A_396 : i32
          %add3A_398 = arith.addi %mul3A_2, %mul3A_397 : i32
          %dma_wait3A_399 = arith.constant 0 : i32
          %dma_wait3A_400 = arith.constant 0 : i32
          %dma_wait3A_401 = tpu.memref_slice %arg4[%dma_wait3A_399, %add3A_398, %dma_wait3A_400] : memref<4x8192x1024xf32, #tpu.memory_space<hbm>> -> memref<1x8x1024xf32, #tpu.memory_space<hbm>>
          %dma_wait3A_402 = tpu.memref_squeeze %dma_wait3A_401 : memref<1x8x1024xf32, #tpu.memory_space<hbm>> -> memref<8x1024xf32, #tpu.memory_space<hbm>>
          %dma_wait3A_403 = arith.constant 0 : i32
          %dma_wait3A_404 = tpu.memref_slice %arg4[%dma_wait3A_399, %add3A_398, %dma_wait3A_403] : memref<4x8192x1024xf32, #tpu.memory_space<hbm>> -> memref<1x8x1024xf32, #tpu.memory_space<hbm>>
          %dma_wait3A_405 = tpu.memref_squeeze %dma_wait3A_404 : memref<1x8x1024xf32, #tpu.memory_space<hbm>> -> memref<8x1024xf32, #tpu.memory_space<hbm>>
          tpu.wait_dma2 semaphore(%arg25 : memref<!tpu.dma_semaphore, #tpu.memory_space<semaphore_mem>>) src(%arg7 : memref<8x1024xf32, #tpu.memory_space<vmem>>) dst(%dma_wait3A_405 : memref<8x1024xf32, #tpu.memory_space<hbm>>)
        } else {
        }
        %add3A_332 = arith.constant 1 : i32
        %add3A_333 = arith.addi %add3A_226, %add3A_332 : i32
        %mul3A_334 = arith.constant 8 : i32
        %mul3A_335 = arith.muli %add3A_333, %mul3A_334 : i32
        %add3A_336 = arith.addi %mul3A_2, %mul3A_335 : i32
        %dma_start3A_337 = arith.constant 0 : i32
        %dma_start3A_338 = arith.constant 0 : i32
        %dma_start3A_339 = tpu.memref_slice %arg2[%dma_start3A_337, %add3A_336, %dma_start3A_338] : memref<4x8192x1024xf32, #tpu.memory_space<hbm>> -> memref<1x8x1024xf32, #tpu.memory_space<hbm>>
        %dma_start3A_340 = tpu.memref_squeeze %dma_start3A_339 : memref<1x8x1024xf32, #tpu.memory_space<hbm>> -> memref<8x1024xf32, #tpu.memory_space<hbm>>
        %dma_start3A_341 = arith.constant 0 : i32
        %dma_start3A_342 = tpu.memref_slice %arg2[%dma_start3A_337, %add3A_336, %dma_start3A_341] : memref<4x8192x1024xf32, #tpu.memory_space<hbm>> -> memref<1x8x1024xf32, #tpu.memory_space<hbm>>
        %dma_start3A_343 = tpu.memref_squeeze %dma_start3A_342 : memref<1x8x1024xf32, #tpu.memory_space<hbm>> -> memref<8x1024xf32, #tpu.memory_space<hbm>>
        tpu.enqueue_dma source(%dma_start3A_343 : memref<8x1024xf32, #tpu.memory_space<hbm>>) target(%arg7 : memref<8x1024xf32, #tpu.memory_space<vmem>>) target_semaphore(%arg17 : memref<!tpu.dma_semaphore, #tpu.memory_space<semaphore_mem>>)
        %ge3A_344 = arith.constant 1 : i32
        %ge3A_345 = arith.cmpi sge, %add3A_226, %ge3A_344 : i32
        %convert_element_type3A_346 = arith.extui %ge3A_345 : i1 to i32
        %cond3A_347 = arith.constant 0 : i32
        %cond3A_348 = arith.cmpi ne, %convert_element_type3A_346, %cond3A_347 : i32
        scf.if %cond3A_348 {
          %sub3A = arith.constant 1 : i32
          %sub3A_395 = arith.subi %add3A_226, %sub3A : i32
          %mul3A_396 = arith.constant 8 : i32
          %mul3A_397 = arith.muli %sub3A_395, %mul3A_396 : i32
          %add3A_398 = arith.addi %mul3A_2, %mul3A_397 : i32
          %dma_wait3A_399 = arith.constant 1 : i32
          %dma_wait3A_400 = arith.constant 0 : i32
          %dma_wait3A_401 = tpu.memref_slice %arg4[%dma_wait3A_399, %add3A_398, %dma_wait3A_400] : memref<4x8192x1024xf32, #tpu.memory_space<hbm>> -> memref<1x8x1024xf32, #tpu.memory_space<hbm>>
          %dma_wait3A_402 = tpu.memref_squeeze %dma_wait3A_401 : memref<1x8x1024xf32, #tpu.memory_space<hbm>> -> memref<8x1024xf32, #tpu.memory_space<hbm>>
          %dma_wait3A_403 = arith.constant 0 : i32
          %dma_wait3A_404 = tpu.memref_slice %arg4[%dma_wait3A_399, %add3A_398, %dma_wait3A_403] : memref<4x8192x1024xf32, #tpu.memory_space<hbm>> -> memref<1x8x1024xf32, #tpu.memory_space<hbm>>
          %dma_wait3A_405 = tpu.memref_squeeze %dma_wait3A_404 : memref<1x8x1024xf32, #tpu.memory_space<hbm>> -> memref<8x1024xf32, #tpu.memory_space<hbm>>
          tpu.wait_dma2 semaphore(%arg26 : memref<!tpu.dma_semaphore, #tpu.memory_space<semaphore_mem>>) src(%arg8 : memref<8x1024xf32, #tpu.memory_space<vmem>>) dst(%dma_wait3A_405 : memref<8x1024xf32, #tpu.memory_space<hbm>>)
        } else {
        }
        %add3A_349 = arith.constant 1 : i32
        %add3A_350 = arith.addi %add3A_226, %add3A_349 : i32
        %mul3A_351 = arith.constant 8 : i32
        %mul3A_352 = arith.muli %add3A_350, %mul3A_351 : i32
        %add3A_353 = arith.addi %mul3A_2, %mul3A_352 : i32
        %dma_start3A_354 = arith.constant 1 : i32
        %dma_start3A_355 = arith.constant 0 : i32
        %dma_start3A_356 = tpu.memref_slice %arg2[%dma_start3A_354, %add3A_353, %dma_start3A_355] : memref<4x8192x1024xf32, #tpu.memory_space<hbm>> -> memref<1x8x1024xf32, #tpu.memory_space<hbm>>
        %dma_start3A_357 = tpu.memref_squeeze %dma_start3A_356 : memref<1x8x1024xf32, #tpu.memory_space<hbm>> -> memref<8x1024xf32, #tpu.memory_space<hbm>>
        %dma_start3A_358 = arith.constant 0 : i32
        %dma_start3A_359 = tpu.memref_slice %arg2[%dma_start3A_354, %add3A_353, %dma_start3A_358] : memref<4x8192x1024xf32, #tpu.memory_space<hbm>> -> memref<1x8x1024xf32, #tpu.memory_space<hbm>>
        %dma_start3A_360 = tpu.memref_squeeze %dma_start3A_359 : memref<1x8x1024xf32, #tpu.memory_space<hbm>> -> memref<8x1024xf32, #tpu.memory_space<hbm>>
        tpu.enqueue_dma source(%dma_start3A_360 : memref<8x1024xf32, #tpu.memory_space<hbm>>) target(%arg8 : memref<8x1024xf32, #tpu.memory_space<vmem>>) target_semaphore(%arg18 : memref<!tpu.dma_semaphore, #tpu.memory_space<semaphore_mem>>)
        %ge3A_361 = arith.constant 1 : i32
        %ge3A_362 = arith.cmpi sge, %add3A_226, %ge3A_361 : i32
        %convert_element_type3A_363 = arith.extui %ge3A_362 : i1 to i32
        %cond3A_364 = arith.constant 0 : i32
        %cond3A_365 = arith.cmpi ne, %convert_element_type3A_363, %cond3A_364 : i32
        scf.if %cond3A_365 {
          %sub3A = arith.constant 1 : i32
          %sub3A_395 = arith.subi %add3A_226, %sub3A : i32
          %mul3A_396 = arith.constant 8 : i32
          %mul3A_397 = arith.muli %sub3A_395, %mul3A_396 : i32
          %add3A_398 = arith.addi %mul3A_2, %mul3A_397 : i32
          %dma_wait3A_399 = arith.constant 2 : i32
          %dma_wait3A_400 = arith.constant 0 : i32
          %dma_wait3A_401 = tpu.memref_slice %arg4[%dma_wait3A_399, %add3A_398, %dma_wait3A_400] : memref<4x8192x1024xf32, #tpu.memory_space<hbm>> -> memref<1x8x1024xf32, #tpu.memory_space<hbm>>
          %dma_wait3A_402 = tpu.memref_squeeze %dma_wait3A_401 : memref<1x8x1024xf32, #tpu.memory_space<hbm>> -> memref<8x1024xf32, #tpu.memory_space<hbm>>
          %dma_wait3A_403 = arith.constant 0 : i32
          %dma_wait3A_404 = tpu.memref_slice %arg4[%dma_wait3A_399, %add3A_398, %dma_wait3A_403] : memref<4x8192x1024xf32, #tpu.memory_space<hbm>> -> memref<1x8x1024xf32, #tpu.memory_space<hbm>>
          %dma_wait3A_405 = tpu.memref_squeeze %dma_wait3A_404 : memref<1x8x1024xf32, #tpu.memory_space<hbm>> -> memref<8x1024xf32, #tpu.memory_space<hbm>>
          tpu.wait_dma2 semaphore(%arg27 : memref<!tpu.dma_semaphore, #tpu.memory_space<semaphore_mem>>) src(%arg9 : memref<8x1024xf32, #tpu.memory_space<vmem>>) dst(%dma_wait3A_405 : memref<8x1024xf32, #tpu.memory_space<hbm>>)
        } else {
        }
        %add3A_366 = arith.constant 1 : i32
        %add3A_367 = arith.addi %add3A_226, %add3A_366 : i32
        %mul3A_368 = arith.constant 8 : i32
        %mul3A_369 = arith.muli %add3A_367, %mul3A_368 : i32
        %add3A_370 = arith.addi %mul3A_2, %mul3A_369 : i32
        %dma_start3A_371 = arith.constant 2 : i32
        %dma_start3A_372 = arith.constant 0 : i32
        %dma_start3A_373 = tpu.memref_slice %arg2[%dma_start3A_371, %add3A_370, %dma_start3A_372] : memref<4x8192x1024xf32, #tpu.memory_space<hbm>> -> memref<1x8x1024xf32, #tpu.memory_space<hbm>>
        %dma_start3A_374 = tpu.memref_squeeze %dma_start3A_373 : memref<1x8x1024xf32, #tpu.memory_space<hbm>> -> memref<8x1024xf32, #tpu.memory_space<hbm>>
        %dma_start3A_375 = arith.constant 0 : i32
        %dma_start3A_376 = tpu.memref_slice %arg2[%dma_start3A_371, %add3A_370, %dma_start3A_375] : memref<4x8192x1024xf32, #tpu.memory_space<hbm>> -> memref<1x8x1024xf32, #tpu.memory_space<hbm>>
        %dma_start3A_377 = tpu.memref_squeeze %dma_start3A_376 : memref<1x8x1024xf32, #tpu.memory_space<hbm>> -> memref<8x1024xf32, #tpu.memory_space<hbm>>
        tpu.enqueue_dma source(%dma_start3A_377 : memref<8x1024xf32, #tpu.memory_space<hbm>>) target(%arg9 : memref<8x1024xf32, #tpu.memory_space<vmem>>) target_semaphore(%arg19 : memref<!tpu.dma_semaphore, #tpu.memory_space<semaphore_mem>>)
        %ge3A_378 = arith.constant 1 : i32
        %ge3A_379 = arith.cmpi sge, %add3A_226, %ge3A_378 : i32
        %convert_element_type3A_380 = arith.extui %ge3A_379 : i1 to i32
        %cond3A_381 = arith.constant 0 : i32
        %cond3A_382 = arith.cmpi ne, %convert_element_type3A_380, %cond3A_381 : i32
        scf.if %cond3A_382 {
          %sub3A = arith.constant 1 : i32
          %sub3A_395 = arith.subi %add3A_226, %sub3A : i32
          %mul3A_396 = arith.constant 8 : i32
          %mul3A_397 = arith.muli %sub3A_395, %mul3A_396 : i32
          %add3A_398 = arith.addi %mul3A_2, %mul3A_397 : i32
          %dma_wait3A_399 = arith.constant 3 : i32
          %dma_wait3A_400 = arith.constant 0 : i32
          %dma_wait3A_401 = tpu.memref_slice %arg4[%dma_wait3A_399, %add3A_398, %dma_wait3A_400] : memref<4x8192x1024xf32, #tpu.memory_space<hbm>> -> memref<1x8x1024xf32, #tpu.memory_space<hbm>>
          %dma_wait3A_402 = tpu.memref_squeeze %dma_wait3A_401 : memref<1x8x1024xf32, #tpu.memory_space<hbm>> -> memref<8x1024xf32, #tpu.memory_space<hbm>>
          %dma_wait3A_403 = arith.constant 0 : i32
          %dma_wait3A_404 = tpu.memref_slice %arg4[%dma_wait3A_399, %add3A_398, %dma_wait3A_403] : memref<4x8192x1024xf32, #tpu.memory_space<hbm>> -> memref<1x8x1024xf32, #tpu.memory_space<hbm>>
          %dma_wait3A_405 = tpu.memref_squeeze %dma_wait3A_404 : memref<1x8x1024xf32, #tpu.memory_space<hbm>> -> memref<8x1024xf32, #tpu.memory_space<hbm>>
          tpu.wait_dma2 semaphore(%arg28 : memref<!tpu.dma_semaphore, #tpu.memory_space<semaphore_mem>>) src(%arg10 : memref<8x1024xf32, #tpu.memory_space<vmem>>) dst(%dma_wait3A_405 : memref<8x1024xf32, #tpu.memory_space<hbm>>)
        } else {
        }
        %add3A_383 = arith.constant 1 : i32
        %add3A_384 = arith.addi %add3A_226, %add3A_383 : i32
        %mul3A_385 = arith.constant 8 : i32
        %mul3A_386 = arith.muli %add3A_384, %mul3A_385 : i32
        %add3A_387 = arith.addi %mul3A_2, %mul3A_386 : i32
        %dma_start3A_388 = arith.constant 3 : i32
        %dma_start3A_389 = arith.constant 0 : i32
        %dma_start3A_390 = tpu.memref_slice %arg2[%dma_start3A_388, %add3A_387, %dma_start3A_389] : memref<4x8192x1024xf32, #tpu.memory_space<hbm>> -> memref<1x8x1024xf32, #tpu.memory_space<hbm>>
        %dma_start3A_391 = tpu.memref_squeeze %dma_start3A_390 : memref<1x8x1024xf32, #tpu.memory_space<hbm>> -> memref<8x1024xf32, #tpu.memory_space<hbm>>
        %dma_start3A_392 = arith.constant 0 : i32
        %dma_start3A_393 = tpu.memref_slice %arg2[%dma_start3A_388, %add3A_387, %dma_start3A_392] : memref<4x8192x1024xf32, #tpu.memory_space<hbm>> -> memref<1x8x1024xf32, #tpu.memory_space<hbm>>
        %dma_start3A_394 = tpu.memref_squeeze %dma_start3A_393 : memref<1x8x1024xf32, #tpu.memory_space<hbm>> -> memref<8x1024xf32, #tpu.memory_space<hbm>>
        tpu.enqueue_dma source(%dma_start3A_394 : memref<8x1024xf32, #tpu.memory_space<hbm>>) target(%arg10 : memref<8x1024xf32, #tpu.memory_space<vmem>>) target_semaphore(%arg20 : memref<!tpu.dma_semaphore, #tpu.memory_space<semaphore_mem>>)
      } else {
      }
      %mul3A_288 = arith.constant 8 : i32
      %mul3A_289 = arith.muli %add3A_226, %mul3A_288 : i32
      %add3A_290 = arith.addi %mul3A_2, %mul3A_289 : i32
      %dma_start3A_291 = arith.constant 0 : i32
      %dma_start3A_292 = arith.constant 0 : i32
      %dma_start3A_293 = tpu.memref_slice %arg4[%dma_start3A_291, %add3A_290, %dma_start3A_292] : memref<4x8192x1024xf32, #tpu.memory_space<hbm>> -> memref<1x8x1024xf32, #tpu.memory_space<hbm>>
      %dma_start3A_294 = tpu.memref_squeeze %dma_start3A_293 : memref<1x8x1024xf32, #tpu.memory_space<hbm>> -> memref<8x1024xf32, #tpu.memory_space<hbm>>
      %dma_start3A_295 = arith.constant 0 : i32
      %dma_start3A_296 = tpu.memref_slice %arg4[%dma_start3A_291, %add3A_290, %dma_start3A_295] : memref<4x8192x1024xf32, #tpu.memory_space<hbm>> -> memref<1x8x1024xf32, #tpu.memory_space<hbm>>
      %dma_start3A_297 = tpu.memref_squeeze %dma_start3A_296 : memref<1x8x1024xf32, #tpu.memory_space<hbm>> -> memref<8x1024xf32, #tpu.memory_space<hbm>>
      tpu.enqueue_dma source(%arg11 : memref<8x1024xf32, #tpu.memory_space<vmem>>) target(%dma_start3A_297 : memref<8x1024xf32, #tpu.memory_space<hbm>>) target_semaphore(%arg29 : memref<!tpu.dma_semaphore, #tpu.memory_space<semaphore_mem>>)
      %mul3A_298 = arith.constant 8 : i32
      %mul3A_299 = arith.muli %add3A_226, %mul3A_298 : i32
      %add3A_300 = arith.addi %mul3A_2, %mul3A_299 : i32
      %dma_start3A_301 = arith.constant 1 : i32
      %dma_start3A_302 = arith.constant 0 : i32
      %dma_start3A_303 = tpu.memref_slice %arg4[%dma_start3A_301, %add3A_300, %dma_start3A_302] : memref<4x8192x1024xf32, #tpu.memory_space<hbm>> -> memref<1x8x1024xf32, #tpu.memory_space<hbm>>
      %dma_start3A_304 = tpu.memref_squeeze %dma_start3A_303 : memref<1x8x1024xf32, #tpu.memory_space<hbm>> -> memref<8x1024xf32, #tpu.memory_space<hbm>>
      %dma_start3A_305 = arith.constant 0 : i32
      %dma_start3A_306 = tpu.memref_slice %arg4[%dma_start3A_301, %add3A_300, %dma_start3A_305] : memref<4x8192x1024xf32, #tpu.memory_space<hbm>> -> memref<1x8x1024xf32, #tpu.memory_space<hbm>>
      %dma_start3A_307 = tpu.memref_squeeze %dma_start3A_306 : memref<1x8x1024xf32, #tpu.memory_space<hbm>> -> memref<8x1024xf32, #tpu.memory_space<hbm>>
      tpu.enqueue_dma source(%arg12 : memref<8x1024xf32, #tpu.memory_space<vmem>>) target(%dma_start3A_307 : memref<8x1024xf32, #tpu.memory_space<hbm>>) target_semaphore(%arg30 : memref<!tpu.dma_semaphore, #tpu.memory_space<semaphore_mem>>)
      %mul3A_308 = arith.constant 8 : i32
      %mul3A_309 = arith.muli %add3A_226, %mul3A_308 : i32
      %add3A_310 = arith.addi %mul3A_2, %mul3A_309 : i32
      %dma_start3A_311 = arith.constant 2 : i32
      %dma_start3A_312 = arith.constant 0 : i32
      %dma_start3A_313 = tpu.memref_slice %arg4[%dma_start3A_311, %add3A_310, %dma_start3A_312] : memref<4x8192x1024xf32, #tpu.memory_space<hbm>> -> memref<1x8x1024xf32, #tpu.memory_space<hbm>>
      %dma_start3A_314 = tpu.memref_squeeze %dma_start3A_313 : memref<1x8x1024xf32, #tpu.memory_space<hbm>> -> memref<8x1024xf32, #tpu.memory_space<hbm>>
      %dma_start3A_315 = arith.constant 0 : i32
      %dma_start3A_316 = tpu.memref_slice %arg4[%dma_start3A_311, %add3A_310, %dma_start3A_315] : memref<4x8192x1024xf32, #tpu.memory_space<hbm>> -> memref<1x8x1024xf32, #tpu.memory_space<hbm>>
      %dma_start3A_317 = tpu.memref_squeeze %dma_start3A_316 : memref<1x8x1024xf32, #tpu.memory_space<hbm>> -> memref<8x1024xf32, #tpu.memory_space<hbm>>
      tpu.enqueue_dma source(%arg13 : memref<8x1024xf32, #tpu.memory_space<vmem>>) target(%dma_start3A_317 : memref<8x1024xf32, #tpu.memory_space<hbm>>) target_semaphore(%arg31 : memref<!tpu.dma_semaphore, #tpu.memory_space<semaphore_mem>>)
      %mul3A_318 = arith.constant 8 : i32
      %mul3A_319 = arith.muli %add3A_226, %mul3A_318 : i32
      %add3A_320 = arith.addi %mul3A_2, %mul3A_319 : i32
      %dma_start3A_321 = arith.constant 3 : i32
      %dma_start3A_322 = arith.constant 0 : i32
      %dma_start3A_323 = tpu.memref_slice %arg4[%dma_start3A_321, %add3A_320, %dma_start3A_322] : memref<4x8192x1024xf32, #tpu.memory_space<hbm>> -> memref<1x8x1024xf32, #tpu.memory_space<hbm>>
      %dma_start3A_324 = tpu.memref_squeeze %dma_start3A_323 : memref<1x8x1024xf32, #tpu.memory_space<hbm>> -> memref<8x1024xf32, #tpu.memory_space<hbm>>
      %dma_start3A_325 = arith.constant 0 : i32
      %dma_start3A_326 = tpu.memref_slice %arg4[%dma_start3A_321, %add3A_320, %dma_start3A_325] : memref<4x8192x1024xf32, #tpu.memory_space<hbm>> -> memref<1x8x1024xf32, #tpu.memory_space<hbm>>
      %dma_start3A_327 = tpu.memref_squeeze %dma_start3A_326 : memref<1x8x1024xf32, #tpu.memory_space<hbm>> -> memref<8x1024xf32, #tpu.memory_space<hbm>>
      tpu.enqueue_dma source(%arg14 : memref<8x1024xf32, #tpu.memory_space<vmem>>) target(%dma_start3A_327 : memref<8x1024xf32, #tpu.memory_space<hbm>>) target_semaphore(%arg32 : memref<!tpu.dma_semaphore, #tpu.memory_space<semaphore_mem>>)
    }
    %scan3A_48 = arith.constant 16 : i32
    %add3A_49 = arith.constant 240 : i32
    %add3A_50 = arith.addi %mul3A_2, %add3A_49 : i32
    %dma_wait3A = arith.constant 0 : i32
    %dma_wait3A_51 = arith.constant 0 : i32
    %dma_wait3A_52 = tpu.memref_slice %arg4[%dma_wait3A, %add3A_50, %dma_wait3A_51] : memref<4x8192x1024xf32, #tpu.memory_space<hbm>> -> memref<1x8x1024xf32, #tpu.memory_space<hbm>>
    %dma_wait3A_53 = tpu.memref_squeeze %dma_wait3A_52 : memref<1x8x1024xf32, #tpu.memory_space<hbm>> -> memref<8x1024xf32, #tpu.memory_space<hbm>>
    %dma_wait3A_54 = arith.constant 0 : i32
    %dma_wait3A_55 = tpu.memref_slice %arg4[%dma_wait3A, %add3A_50, %dma_wait3A_54] : memref<4x8192x1024xf32, #tpu.memory_space<hbm>> -> memref<1x8x1024xf32, #tpu.memory_space<hbm>>
    %dma_wait3A_56 = tpu.memref_squeeze %dma_wait3A_55 : memref<1x8x1024xf32, #tpu.memory_space<hbm>> -> memref<8x1024xf32, #tpu.memory_space<hbm>>
    tpu.wait_dma2 semaphore(%arg25 : memref<!tpu.dma_semaphore, #tpu.memory_space<semaphore_mem>>) src(%arg7 : memref<8x1024xf32, #tpu.memory_space<vmem>>) dst(%dma_wait3A_56 : memref<8x1024xf32, #tpu.memory_space<hbm>>)
    %add3A_57 = arith.constant 240 : i32
    %add3A_58 = arith.addi %mul3A_2, %add3A_57 : i32
    %dma_wait3A_59 = arith.constant 1 : i32
    %dma_wait3A_60 = arith.constant 0 : i32
    %dma_wait3A_61 = tpu.memref_slice %arg4[%dma_wait3A_59, %add3A_58, %dma_wait3A_60] : memref<4x8192x1024xf32, #tpu.memory_space<hbm>> -> memref<1x8x1024xf32, #tpu.memory_space<hbm>>
    %dma_wait3A_62 = tpu.memref_squeeze %dma_wait3A_61 : memref<1x8x1024xf32, #tpu.memory_space<hbm>> -> memref<8x1024xf32, #tpu.memory_space<hbm>>
    %dma_wait3A_63 = arith.constant 0 : i32
    %dma_wait3A_64 = tpu.memref_slice %arg4[%dma_wait3A_59, %add3A_58, %dma_wait3A_63] : memref<4x8192x1024xf32, #tpu.memory_space<hbm>> -> memref<1x8x1024xf32, #tpu.memory_space<hbm>>
    %dma_wait3A_65 = tpu.memref_squeeze %dma_wait3A_64 : memref<1x8x1024xf32, #tpu.memory_space<hbm>> -> memref<8x1024xf32, #tpu.memory_space<hbm>>
    tpu.wait_dma2 semaphore(%arg26 : memref<!tpu.dma_semaphore, #tpu.memory_space<semaphore_mem>>) src(%arg8 : memref<8x1024xf32, #tpu.memory_space<vmem>>) dst(%dma_wait3A_65 : memref<8x1024xf32, #tpu.memory_space<hbm>>)
    %add3A_66 = arith.constant 240 : i32
    %add3A_67 = arith.addi %mul3A_2, %add3A_66 : i32
    %dma_wait3A_68 = arith.constant 2 : i32
    %dma_wait3A_69 = arith.constant 0 : i32
    %dma_wait3A_70 = tpu.memref_slice %arg4[%dma_wait3A_68, %add3A_67, %dma_wait3A_69] : memref<4x8192x1024xf32, #tpu.memory_space<hbm>> -> memref<1x8x1024xf32, #tpu.memory_space<hbm>>
    %dma_wait3A_71 = tpu.memref_squeeze %dma_wait3A_70 : memref<1x8x1024xf32, #tpu.memory_space<hbm>> -> memref<8x1024xf32, #tpu.memory_space<hbm>>
    %dma_wait3A_72 = arith.constant 0 : i32
    %dma_wait3A_73 = tpu.memref_slice %arg4[%dma_wait3A_68, %add3A_67, %dma_wait3A_72] : memref<4x8192x1024xf32, #tpu.memory_space<hbm>> -> memref<1x8x1024xf32, #tpu.memory_space<hbm>>
    %dma_wait3A_74 = tpu.memref_squeeze %dma_wait3A_73 : memref<1x8x1024xf32, #tpu.memory_space<hbm>> -> memref<8x1024xf32, #tpu.memory_space<hbm>>
    tpu.wait_dma2 semaphore(%arg27 : memref<!tpu.dma_semaphore, #tpu.memory_space<semaphore_mem>>) src(%arg9 : memref<8x1024xf32, #tpu.memory_space<vmem>>) dst(%dma_wait3A_74 : memref<8x1024xf32, #tpu.memory_space<hbm>>)
    %add3A_75 = arith.constant 240 : i32
    %add3A_76 = arith.addi %mul3A_2, %add3A_75 : i32
    %dma_wait3A_77 = arith.constant 3 : i32
    %dma_wait3A_78 = arith.constant 0 : i32
    %dma_wait3A_79 = tpu.memref_slice %arg4[%dma_wait3A_77, %add3A_76, %dma_wait3A_78] : memref<4x8192x1024xf32, #tpu.memory_space<hbm>> -> memref<1x8x1024xf32, #tpu.memory_space<hbm>>
    %dma_wait3A_80 = tpu.memref_squeeze %dma_wait3A_79 : memref<1x8x1024xf32, #tpu.memory_space<hbm>> -> memref<8x1024xf32, #tpu.memory_space<hbm>>
    %dma_wait3A_81 = arith.constant 0 : i32
    %dma_wait3A_82 = tpu.memref_slice %arg4[%dma_wait3A_77, %add3A_76, %dma_wait3A_81] : memref<4x8192x1024xf32, #tpu.memory_space<hbm>> -> memref<1x8x1024xf32, #tpu.memory_space<hbm>>
    %dma_wait3A_83 = tpu.memref_squeeze %dma_wait3A_82 : memref<1x8x1024xf32, #tpu.memory_space<hbm>> -> memref<8x1024xf32, #tpu.memory_space<hbm>>
    tpu.wait_dma2 semaphore(%arg28 : memref<!tpu.dma_semaphore, #tpu.memory_space<semaphore_mem>>) src(%arg10 : memref<8x1024xf32, #tpu.memory_space<vmem>>) dst(%dma_wait3A_83 : memref<8x1024xf32, #tpu.memory_space<hbm>>)
    %add3A_84 = arith.constant 248 : i32
    %add3A_85 = arith.addi %mul3A_2, %add3A_84 : i32
    %dma_wait3A_86 = arith.constant 0 : i32
    %dma_wait3A_87 = arith.constant 0 : i32
    %dma_wait3A_88 = tpu.memref_slice %arg4[%dma_wait3A_86, %add3A_85, %dma_wait3A_87] : memref<4x8192x1024xf32, #tpu.memory_space<hbm>> -> memref<1x8x1024xf32, #tpu.memory_space<hbm>>
    %dma_wait3A_89 = tpu.memref_squeeze %dma_wait3A_88 : memref<1x8x1024xf32, #tpu.memory_space<hbm>> -> memref<8x1024xf32, #tpu.memory_space<hbm>>
    %dma_wait3A_90 = arith.constant 0 : i32
    %dma_wait3A_91 = tpu.memref_slice %arg4[%dma_wait3A_86, %add3A_85, %dma_wait3A_90] : memref<4x8192x1024xf32, #tpu.memory_space<hbm>> -> memref<1x8x1024xf32, #tpu.memory_space<hbm>>
    %dma_wait3A_92 = tpu.memref_squeeze %dma_wait3A_91 : memref<1x8x1024xf32, #tpu.memory_space<hbm>> -> memref<8x1024xf32, #tpu.memory_space<hbm>>
    tpu.wait_dma2 semaphore(%arg29 : memref<!tpu.dma_semaphore, #tpu.memory_space<semaphore_mem>>) src(%arg11 : memref<8x1024xf32, #tpu.memory_space<vmem>>) dst(%dma_wait3A_92 : memref<8x1024xf32, #tpu.memory_space<hbm>>)
    %add3A_93 = arith.constant 248 : i32
    %add3A_94 = arith.addi %mul3A_2, %add3A_93 : i32
    %dma_wait3A_95 = arith.constant 1 : i32
    %dma_wait3A_96 = arith.constant 0 : i32
    %dma_wait3A_97 = tpu.memref_slice %arg4[%dma_wait3A_95, %add3A_94, %dma_wait3A_96] : memref<4x8192x1024xf32, #tpu.memory_space<hbm>> -> memref<1x8x1024xf32, #tpu.memory_space<hbm>>
    %dma_wait3A_98 = tpu.memref_squeeze %dma_wait3A_97 : memref<1x8x1024xf32, #tpu.memory_space<hbm>> -> memref<8x1024xf32, #tpu.memory_space<hbm>>
    %dma_wait3A_99 = arith.constant 0 : i32
    %dma_wait3A_100 = tpu.memref_slice %arg4[%dma_wait3A_95, %add3A_94, %dma_wait3A_99] : memref<4x8192x1024xf32, #tpu.memory_space<hbm>> -> memref<1x8x1024xf32, #tpu.memory_space<hbm>>
    %dma_wait3A_101 = tpu.memref_squeeze %dma_wait3A_100 : memref<1x8x1024xf32, #tpu.memory_space<hbm>> -> memref<8x1024xf32, #tpu.memory_space<hbm>>
    tpu.wait_dma2 semaphore(%arg30 : memref<!tpu.dma_semaphore, #tpu.memory_space<semaphore_mem>>) src(%arg12 : memref<8x1024xf32, #tpu.memory_space<vmem>>) dst(%dma_wait3A_101 : memref<8x1024xf32, #tpu.memory_space<hbm>>)
    %add3A_102 = arith.constant 248 : i32
    %add3A_103 = arith.addi %mul3A_2, %add3A_102 : i32
    %dma_wait3A_104 = arith.constant 2 : i32
    %dma_wait3A_105 = arith.constant 0 : i32
    %dma_wait3A_106 = tpu.memref_slice %arg4[%dma_wait3A_104, %add3A_103, %dma_wait3A_105] : memref<4x8192x1024xf32, #tpu.memory_space<hbm>> -> memref<1x8x1024xf32, #tpu.memory_space<hbm>>
    %dma_wait3A_107 = tpu.memref_squeeze %dma_wait3A_106 : memref<1x8x1024xf32, #tpu.memory_space<hbm>> -> memref<8x1024xf32, #tpu.memory_space<hbm>>
    %dma_wait3A_108 = arith.constant 0 : i32
    %dma_wait3A_109 = tpu.memref_slice %arg4[%dma_wait3A_104, %add3A_103, %dma_wait3A_108] : memref<4x8192x1024xf32, #tpu.memory_space<hbm>> -> memref<1x8x1024xf32, #tpu.memory_space<hbm>>
    %dma_wait3A_110 = tpu.memref_squeeze %dma_wait3A_109 : memref<1x8x1024xf32, #tpu.memory_space<hbm>> -> memref<8x1024xf32, #tpu.memory_space<hbm>>
    tpu.wait_dma2 semaphore(%arg31 : memref<!tpu.dma_semaphore, #tpu.memory_space<semaphore_mem>>) src(%arg13 : memref<8x1024xf32, #tpu.memory_space<vmem>>) dst(%dma_wait3A_110 : memref<8x1024xf32, #tpu.memory_space<hbm>>)
    %add3A_111 = arith.constant 248 : i32
    %add3A_112 = arith.addi %mul3A_2, %add3A_111 : i32
    %dma_wait3A_113 = arith.constant 3 : i32
    %dma_wait3A_114 = arith.constant 0 : i32
    %dma_wait3A_115 = tpu.memref_slice %arg4[%dma_wait3A_113, %add3A_112, %dma_wait3A_114] : memref<4x8192x1024xf32, #tpu.memory_space<hbm>> -> memref<1x8x1024xf32, #tpu.memory_space<hbm>>
    %dma_wait3A_116 = tpu.memref_squeeze %dma_wait3A_115 : memref<1x8x1024xf32, #tpu.memory_space<hbm>> -> memref<8x1024xf32, #tpu.memory_space<hbm>>
    %dma_wait3A_117 = arith.constant 0 : i32
    %dma_wait3A_118 = tpu.memref_slice %arg4[%dma_wait3A_113, %add3A_112, %dma_wait3A_117] : memref<4x8192x1024xf32, #tpu.memory_space<hbm>> -> memref<1x8x1024xf32, #tpu.memory_space<hbm>>
    %dma_wait3A_119 = tpu.memref_squeeze %dma_wait3A_118 : memref<1x8x1024xf32, #tpu.memory_space<hbm>> -> memref<8x1024xf32, #tpu.memory_space<hbm>>
    tpu.wait_dma2 semaphore(%arg32 : memref<!tpu.dma_semaphore, #tpu.memory_space<semaphore_mem>>) src(%arg14 : memref<8x1024xf32, #tpu.memory_space<vmem>>) dst(%dma_wait3A_119 : memref<8x1024xf32, #tpu.memory_space<hbm>>)
    return
  }
}

</mosaic_0001>

<sc_bundles>
// kernel: kernel.3.cloned.1.call-start
scs
__scs_entry_jumppad:
0x0: {  	(pc) =	sbr.rel $0x88, $3  }
0x1: {  	(tag) =	ssettag $0x0;
	lr =	simm.s32 $0x1  }
0x2: {  	[smem:$0x3F9F] =	sst lr;
	_ =	strace $0xD0000000  }
0x3: {  	_ = 	snop  }
0x4: {  	_ = 	snop  }
0x5: {  	_ = 	snop  }
0x6: {  	_ = 	snop  }
0x7: {  	_ = 	snop  }
__scs_overlays_trampoline_lowered:
0x8: {  	[smem:$0x3FAE] =	sst s0  }
0x9: {  	[smem:$0x3FAF] =	sst s1  }
0xa: {  	[smem:$0x3FB0] =	sst s2  }
0xb: {  	[smem:$0x3FB1] =	sst s3  }
0xc: {  	[smem:$0x3FB2] =	sst s4  }
0xd: {  	[smem:$0x3FB3] =	sst s5  }
0xe: {  	[smem:$0x3FB4] =	sst s6  }
0xf: {  	[smem:$0x3FB5] =	sst s7  }
0x10: {  	[smem:$0x3FB6] =	sst s8  }
0x11: {  	[smem:$0x3FB7] =	sst s9;
	s0 =	simm.s32 @!p0 $0x0  }
0x12: {  	s1 =	sld [smem:$0x3F9D];
	s0 =	simm.s32 @p0 $0x1  }
0x13: {  	[smem:$0x3FB8] =	sst s0;
	s0 =	simm.s32 @!p1 $0x0  }
0x14: {  	s2 =	sld [smem:$0x3F9C];
	s0 =	simm.s32 @p1 $0x1  }
0x15: {  	[smem:$0x3FB9] =	sst s0;
	s0 =	simm.s32 @!p2 $0x0  }
0x16: {  	s3 =	sld [smem:$0x3FDB];
	s0 =	simm.s32 @p2 $0x1  }
0x17: {  	s4 =	simm.s32 $0x1BF5;
	[smem:$0x3FBB] =	sst s0  }
0x18: {  	s0 =	sld [smem:$0x3F9E];
	_ =	swait.ge [sflag:s4], $0x0  }
0x19: {  	s7 =	sld [smem:$0x3F9F]  }
0x1a: {  	s8 =	sadd.s32 $0xFFFFE003, lr  }
0x1b: {  	s9 =	sadd.s32 $0xFFFFFEF7, lr;
	s5 =	simm.s32 $0xFFFFFFFF;
	p2 =	slt.u32 s8, $0xFFFFF086  }
0x1c: {  	p1 =	slt.u32 s9, $0xF7A;
	s5 =	simm.s32 @!p2 $0x0  }
0x1d: {  	s5 =	simm.s32 @p1 $0x1;
	p0 =	seq.s32 s7, s2  }
0x1e: {  	s7 =	smul.u32 @!p0 $0xF7A, s2;
	p2 =	seq.s32 @!p0 s5, $0x0  }
0x1f: {  	s9 =	smul.u32 $0xF7A, s1;
	s8 =	simm.s32 @!p0 $0x1BF5;
	p2 =	por !p2, p0  }
0x20: {  	[sflag:s8] =	ssyncset.s32 @!p0 $0xFFFFF086;
	s6 =	sadd.s32 @!p0 s3, s7;
	s7 =	simm.s32 @!p0 $0x108  }
0x21: {  	s3 =	sadd.s32 s3, s9;
	s6 =	sadd.s32 @!p0 $0x88, s6;
	s7 =	simm.s32 @p2 $0x1082  }
0x22: {  	[simem:s7], [sflag:s8] =	dma.local @!p0 [hbm:s6], $0xF7A  }
0x23: {  	s9 =	sor.u32 $0xD0000000, s2;
	s6 =	simm.s32 $0x108;
	_ =	swait.ge @!p0 [sflag:s8], $0x0  }
0x24: {  	s3 =	sadd.s32 $0x88, s3;
	s6 =	simm.s32 @!p1 $0x1082;
	[sflag:s4] =	ssyncset.s32 $0xFFFFF086  }
0x25: {  	[simem:s6], [sflag:s4] =	dma.local [hbm:s3], $0xF7A  }
0x26: {  	[smem:$0x3F9F] =	sst s1;
	(tag) =	ssettag s2;
	_ =	strace s9  }
0x27: {  	s1 =	sld [smem:$0x3FAF]  }
0x28: {  	s2 =	sld [smem:$0x3FB0]  }
0x29: {  	s4 =	sld [smem:$0x3FB2]  }
0x2a: {  	p0 =	seq.s32 s5, $0x0;
	s5 =	sld [smem:$0x3FB3]  }
0x2b: {  	s6 =	sld [smem:$0x3FB4]  }
0x2c: {  	s7 =	sld [smem:$0x3FB5]  }
0x2d: {  	s3 =	simm.s32 $0x108;
	s8 =	sld [smem:$0x3FB6]  }
0x2e: {  	s3 =	simm.s32 @!p0 $0x1082;
	s9 =	sld [smem:$0x3FB7]  }
0x2f: {  	lr =	sadd.s32 s0, s3;
	s0 =	sld [smem:$0x3FAE]  }
0x30: {  	s3 =	sld [smem:$0x3FB1]  }
0x31: {  	[smem:$0x3FBA] =	sst s10  }
0x32: {  	s10 =	sld [smem:$0x3FB8];
	_ =	sdelay $0x3  }
0x33: {  	p0 =	seq.s32 s10, $0x1;
	s10 =	sld [smem:$0x3FBA];
	_ =	sdelay $0x3  }
0x34: {  	[smem:$0x3FBA] =	sst s10  }
0x35: {  	s10 =	sld [smem:$0x3FB9];
	_ =	sdelay $0x3  }
0x36: {  	p1 =	seq.s32 s10, $0x1;
	s10 =	sld [smem:$0x3FBA];
	_ =	sdelay $0x3  }
0x37: {  	[smem:$0x3FBA] =	sst s10  }
0x38: {  	s10 =	sld [smem:$0x3FBB]  }
0x39: {  	_ = 	snop;
	(pc) =	sbr.ind lr, $3  }
0x3a: {  	_ = 	snop  }
0x3b: {  	_ = 	snop  }
0x3c: {  	p2 =	seq.s32 s10, $0x1;
	s10 =	sld [smem:$0x3FBA]  }
0x3d: {  	_ =	shalt  }
0x3e: {  	_ =	shalt  }
0x3f: {  	_ =	shalt  }
0x40: {  	_ =	shalt  }
0x41: {  	_ =	shalt  }
0x42: {  	_ =	shalt  }
0x43: {  	_ =	shalt  }
0x44: {  	_ =	shalt  }
0x45: {  	_ =	shalt  }
0x46: {  	_ =	shalt  }
0x47: {  	_ =	shalt  }
0x48: {  	_ =	shalt  }
0x49: {  	_ =	shalt  }
0x4a: {  	_ =	shalt  }
0x4b: {  	_ =	shalt  }
0x4c: {  	_ =	shalt  }
0x4d: {  	_ =	shalt  }
0x4e: {  	_ =	shalt  }
0x4f: {  	_ =	shalt  }
0x50: {  	_ =	shalt  }
0x51: {  	_ =	shalt  }
0x52: {  	_ =	shalt  }
0x53: {  	_ =	shalt  }
0x54: {  	_ =	shalt  }
0x55: {  	_ =	shalt  }
0x56: {  	_ =	shalt  }
0x57: {  	_ =	shalt  }
0x58: {  	_ =	shalt  }
0x59: {  	_ =	shalt  }
0x5a: {  	_ =	shalt  }
0x5b: {  	_ =	shalt  }
0x5c: {  	_ =	shalt  }
0x5d: {  	_ =	shalt  }
0x5e: {  	_ =	shalt  }
0x5f: {  	_ =	shalt  }
0x60: {  	_ =	shalt  }
0x61: {  	_ =	shalt  }
0x62: {  	_ =	shalt  }
0x63: {  	_ =	shalt  }
0x64: {  	_ =	shalt  }
0x65: {  	_ =	shalt  }
0x66: {  	_ =	shalt  }
0x67: {  	_ =	shalt  }
0x68: {  	_ =	shalt  }
0x69: {  	_ =	shalt  }
0x6a: {  	_ =	shalt  }
0x6b: {  	_ =	shalt  }
0x6c: {  	_ =	shalt  }
0x6d: {  	_ =	shalt  }
0x6e: {  	_ =	shalt  }
0x6f: {  	_ =	shalt  }
0x70: {  	_ =	shalt  }
0x71: {  	_ =	shalt  }
0x72: {  	_ =	shalt  }
0x73: {  	_ =	shalt  }
0x74: {  	_ =	shalt  }
0x75: {  	_ =	shalt  }
0x76: {  	_ =	shalt  }
0x77: {  	_ =	shalt  }
0x78: {  	_ =	shalt  }
0x79: {  	_ =	shalt  }
0x7a: {  	_ =	shalt  }
0x7b: {  	_ =	shalt  }
0x7c: {  	_ =	shalt  }
0x7d: {  	_ =	shalt  }
0x7e: {  	_ =	shalt  }
0x7f: {  	_ =	shalt  }
0x80: {  	_ =	shalt  }
0x81: {  	_ =	shalt  }
0x82: {  	_ =	shalt  }
0x83: {  	_ =	shalt  }
0x84: {  	_ =	shalt  }
0x85: {  	_ =	shalt  }
0x86: {  	_ =	shalt  }
0x87: {  	_ =	shalt  }
.Lfunc_end0:
.L_simem_size_0:
called_computation_lowered:
.L_overlay_start_0:
0x88: {  	s2 =	sld [smem:$0x3FD9]  }
0x89: {  	s3 =	sld [smem:$0x3FFE];
	_ =	sdelay $0x1  }
0x8a: {  	s1 =	srdreg.scid  }
0x8b: {  	s0 =	sand.u32 $0x1, s1  }
0x8c: {  	s18 =	sshll.u32 s0, $0xA;
	s2 =	sadd.s32 s3, s2  }
0x8d: {  	s2 =	sadd.s32 s2, s18  }
0x8e: {  	[smem:$0x3FC6] =	sst s2  }
0x8f: {  	_ = 	snop  }
0x90: {  	s2 =	sld [smem:$0x3FC9]  }
0x91: {  	s19 =	sld [smem:$0x3FC8]  }
0x92: {  	s4 =	sld [smem:$0x3FD0];
	(tm) =	ssettm $0x1  }
0x93: {  	s5 =	sld [smem:$0x3FFB];
	_ =	sdelay $0x3  }
0x94: {  	_ =	strace s5  }
0x95: {  	s5 =	sld [smem:$0x3FFC];
	_ =	sdelay $0x3  }
0x96: {  	_ =	strace s5  }
0x97: {  	s5 =	sld [smem:$0x3FFD];
	_ =	sdelay $0x3  }
0x98: {  	_ =	strace s5  }
0x99: {  	_ =	strace $0x8FFFFFFF  }
0x9a: {  	s20 =	sld [smem:$0x3FDB];
	_ =	sdelay $0x1  }
0x9b: {  	s6 =	simm.s32 $_scs_section_size  }
0x9c: {  	s7 =	simm.s32 $_size__tile_overlayer_lowered;
	s8 =	simm.s32 $_tile_overlayer_lowered  }
0x9d: {  	s23 =	simm.s32 $0x1BFF;
	s22 =	sshll.u32 s8, $0x1;
	s5 =	sadd.s32 s6, s20  }
0x9e: {  	s9 =	simm.s32 $0x0;
	s21 =	sshll.u32 s7, $0x1;
	s7 =	sadd.s32 s22, s5  }
0x9f: {  	[timem:s9], [sflag:s23] =	dma.local [hbm:s7], s21  }
0xa0: {  	_ =	swait.ge [sflag:s23], s21  }
0xa1: {  	s6 =	ssub.s32 $0x0, s21;
	[sflag:s23] =	ssyncset.done $0x0  }
0xa2: {  	[sflag:s23] =	ssyncadd.s32 s6;
	_ =	sdelay $0x1  }
0xa3: {  	s24 =	simm.s32 $0x1B8B  }
0xa4: {  	_ =	swait.ge [sflag:s24], $0x1  }
0xa5: {  	[sflag:s24] =	ssyncset.done $0x0  }
0xa6: {  	s25 =	simm.s32 $0x1B8E;
	[sflag:s24] =	ssyncadd.s32 $0xFFFFFFFF  }
0xa7: {  	s26 =	simm.s32 $execute0_lowered;
	[smem:$0x3FD2] =	sst s25  }
0xa8: {  	s6 =	sshll.u32 s26, $0x1;
	_ =	strace $0x80000046;
	[dreg:$0x1] =	wrdreg $0xFFFFFFFF  }
0xa9: {  	s28 =	simm.s32 $_size_execute0_lowered;
	s5 =	sadd.s32 s5, s6;
	[dreg:$0x0] =	wrdreg $0x0  }
0xaa: {  	s6 =	sshll.u32 s28, $0x1;
	[dreg:$0x2] =	wrdreg s5  }
0xab: {  	[dreg:$0x3] =	wrdreg s6  }
0xac: {  	[dreg:$0x4] =	wrdreg $0xC0  }
0xad: {  	_ =	task [dreg:s9], $0x5FFFF  }
0xae: {  	[dreg:$0x1] =	wrdreg $0xFFFFFFFF  }
0xaf: {  	[dreg:$0x0] =	wrdreg $0x60  }
0xb0: {  	[dreg:$0x2] =	wrdreg s2  }
0xb1: {  	[dreg:$0x3] =	wrdreg s19  }
0xb2: {  	[dreg:$0x4] =	wrdreg s4  }
0xb3: {  	[dreg:$0x5] =	wrdreg $0x9  }
0xb4: {  	_ =	task.clear_ibuf [dreg:s9], $0x6FFFF;
	_ =	strace $0x90000046  }
0xb5: {  	s29 =	simm.s32 $0x9;
	_ =	strace $0x80000048  }
0xb6: {  	_ =	swait.ge [sflag:s29], $0x1  }
0xb7: {  	[sflag:s29] =	ssyncadd.s32 $0xFFFFFFFF  }
0xb8: {  	_ =	strace $0x90000048  }
0xb9: {  	_ =	sfence  }
0xba: {  	s30 =	sld [smem:$0x0];
	_ =	sdelay $0x2  }
0xbb: {  	s31 =	sshll.u32 s1, $0xD;
	s1 =	sshrl.u32 s1, $0x2  }
0xbc: {  	s3 =	sand.u32 $0x4000, s31;
	s1 =	sadd.s32 s1, s30  }
0xbd: {  	s0 =	sor.u32 s3, s0;
	s1 =	sshll.u32 s1, $0x11  }
0xbe: {  	s0 =	sor.u32 s1, s0  }
0xbf: {  	s0 =	sadd.s32 $0x8F2B, s0  }
0xc0: {  	[sflag:s0] =	ssyncadd.remote.s32 $0x1  }
0xc1: {  	_ =	sfence.sel $0xFFFF  }
0xc2: {  	[dreg:$0x0] =	wrdreg $0xFFFFFFFF;
	(pc) =	sbr.abs _section_cstart, $3  }
0xc3: {  	[dreg:$0x1] =	wrdreg $0xFFFFFFFF  }
0xc4: {  	_ =	task.clear_ibuf [dreg:s9], $0x2FFFF;
	_ =	strace $0x9FFFFFFF  }
0xc5: {  	(tm) =	ssettm $0x7FFFFFFF  }
tec
execute0_lowered:
.L_overlay_start_1:
0x0: {  	(tag) =	ssettag $0x1  }
0x1: {  	s1 =	rddreg [dreg:$0x0]  }
0x2: {  	s0 =	rddreg [dreg:$0x1]  }
0x3: {  	s2 =	rddreg [dreg:$0x2];
	s4 =	simm.s32 $0x0;
	s3 =	srdreg.scid  }
0x4: {  	s5 =	stileid.u32;
	s29 =	simm.s32 $0x2000;
	s30 =	simm.s32 $0xC000  }
0x5: {  	s31 =	simm.s32 $0xE000;
	[smem:$0x7FF] =	sst s4;
	s3 =	sand.u32 $0x1, s3  }
0x6: {  	s7 =	sshll.u32 s5, $0x10;
	_ =	strace $0x80000047;
	[dreg:$0x8] =	wrdreg s29  }
0x7: {  	s6 =	ssub.s32 $0x2, s3;
	s3 =	sshll.u32 s3, $0xF;
	[dreg:$0x9] =	wrdreg s30  }
0x8: {  	s8 =	sshrl.u32 s6, $0x1;
	s5 =	sor.u32 s3, s7;
	s7 =	sadd.s32 s7, s2  }
0x9: {  	[dreg:$0xa] =	wrdreg s31;
	s8 =	ssub.s32 s6, s8;
	s19 =	sadd.s32 s3, s7  }
0xa: {  	s6 =	sadd.s32 s5, s1;
	s9 =	sadd.s32 s5, s0;
	[dreg:$0x4] =	wrdreg s19  }
0xb: {  	s16 =	simm.s32 $0x1;
	s18 =	sadd.s32 $0x100000, s6;
	[dreg:$0xb] =	wrdreg s9  }
0xc: {  	s17 =	simm.s32 $0x3;
	s22 =	sadd.s32 $0x200000, s6;
	[dreg:$0xc] =	wrdreg s18  }
0xd: {  	s28 =	simm.s32 $0xA;
	s20 =	sadd.s32 $0x400, s9;
	[dreg:$0xd] =	wrdreg s22  }
0xe: {  	s21 =	sadd.s32 s5, s2;
	s24 =	sadd.s32 $0x300000, s6;
	[dreg:$0x5] =	wrdreg s20  }
0xf: {  	s15 =	simm.s32 $0x4000;
	s23 =	sadd.s32 $0x400, s21;
	[dreg:$0xe] =	wrdreg s24  }
0x10: {  	s7 =	simm.s32 $0x0;
	s26 =	smax.u32 s8, $0x1;
	[dreg:$0x6] =	wrdreg s23  }
0x11: {  	s25 =	sadd.s32 $0x800, s9;
	s19 =	simm.s32 $0x5;
	[dreg:$0xf] =	wrdreg s26  }
0x12: {  	s21 =	simm.s32 $0x10000;
	[dreg:$0x7] =	wrdreg s25;
	s18 =	simm.s32 $0x4  }
0x13: {  	s20 =	simm.s32 $0x6;
	s22 =	simm.s32 $0x12000;
	s23 =	simm.s32 $0x2  }
0x14: {  	s24 =	simm.s32 $0x7;
	s25 =	simm.s32 $0x8;
	s26 =	simm.s32 $0x9  }
.LBB2_1:
0x15: {  	[dreg:$0x10] =	wrdreg s7  }
0x16: {  	s0 =	rddreg [dreg:$0xb]  }
0x17: {  	[tilespmem:s4], [sflag:$0x1] =	stream.linear.gather [hbm4b:s0+s4], $0x2000, $0x38;
	[tilespmem:$0x14000] =	vst v63  }
0x18: {  	s10 =	simm.s32 $0x4000;
	s3 =	rddreg [dreg:$0xc]  }
0x19: {  	[tilespmem:s10], [sflag:$0x3] =	stream.linear.gather [hbm4b:s6+s4], $0x2000, $0x38;
	[tilespmem:$0x14000] =	vst v63  }
0x1a: {  	s11 =	simm.s32 $0x6000;
	s7 =	rddreg [dreg:$0xd]  }
0x1b: {  	[tilespmem:s11], [sflag:$0x4] =	stream.linear.gather [hbm4b:s3+s4], $0x2000, $0x38;
	[tilespmem:$0x14000] =	vst v63  }
0x1c: {  	s12 =	simm.s32 $0x8000;
	s8 =	rddreg [dreg:$0x5]  }
0x1d: {  	[tilespmem:s12], [sflag:$0x5] =	stream.linear.gather [hbm4b:s7+s4], $0x2000, $0x38;
	[tilespmem:$0x14000] =	vst v63  }
0x1e: {  	s9 =	rddreg [dreg:$0xe];
	s13 =	simm.s32 $0xA000  }
0x1f: {  	[tilespmem:s13], [sflag:$0x6] =	stream.linear.gather [hbm4b:s9+s4], $0x2000, $0x38;
	[tilespmem:$0x14000] =	vst v63  }
0x20: {  	s0 =	sadd.s32 $0x0, s8;
	s3 =	rddreg [dreg:$0x8]  }
0x21: {  	[tilespmem:s3], [sflag:$0x2] =	stream.linear.gather [hbm4b:s0+s4], $0x2000, $0x38;
	[tilespmem:$0x14000] =	vst v63  }
0x22: {  	_ =	swait.ge [sflag:s16], $0x2000  }
0x23: {  	[sflag:s16] =	ssyncset.done $0x0  }
0x24: {  	[sflag:s16] =	ssyncadd.s32 $0xFFFFE000  }
0x25: {  	_ =	swait.ge [sflag:s17], $0x2000  }
0x26: {  	[sflag:s17] =	ssyncset.done $0x0  }
0x27: {  	[sflag:s17] =	ssyncadd.s32 $0xFFFFE000  }
0x28: {  	_ =	swait.ge [sflag:s18], $0x2000  }
0x29: {  	[sflag:s18] =	ssyncset.done $0x0  }
0x2a: {  	[sflag:s18] =	ssyncadd.s32 $0xFFFFE000  }
0x2b: {  	_ =	swait.ge [sflag:s19], $0x2000  }
0x2c: {  	[sflag:s19] =	ssyncset.done $0x0  }
0x2d: {  	p0 =	por $0x1, $0x1;
	[sflag:s19] =	ssyncadd.s32 $0xFFFFE000  }
0x2e: {  	s8 =	simm.s32 @p0 $0xC000;
	s7 =	simm.s32 @p0 $0x0;
	_ =	swait.ge [sflag:s20], $0x2000  }
0x2f: {  	s0 =	sadd.s32 $0x0, s5;
	s3 =	sadd.s32 @p0 $0x0, s6;
	[sflag:s20] =	ssyncset.done $0x0  }
0x30: {  	s3 =	sadd.s32 @p0 $0x400, s3;
	s9 =	sor.u32 @p0 $0x100400, s0;
	[sflag:s20] =	ssyncadd.s32 $0xFFFFE000  }
0x31: {  	[tilespmem:s8], [sflag:$0x7] =	stream.linear.gather @p0 [hbm4b:s3+s7], $0x2000, $0x38;
	[tilespmem:$0x14000] =	vst v63  }
0x32: {  	s3 =	sadd.s32 @p0 s1, s9;
	s8 =	simm.s32 @p0 $0xE000;
	s9 =	simm.s32 @!p0 $0xF  }
0x33: {  	[tilespmem:s8], [sflag:$0x8] =	stream.linear.gather @p0 [hbm4b:s3+s7], $0x2000, $0x38;
	[tilespmem:$0x14000] =	vst v63  }
0x34: {  	s3 =	sadd.s32 @!p0 $0x0, s6;
	_ =	swait.ge @!p0 [sflag:s9], $0x2000  }
0x35: {  	s7 =	simm.s32 @!p0 $0x10;
	s8 =	simm.s32 @!p0 $0x0;
	[sflag:s9] =	ssyncset.done @!p0 $0x0  }
0x36: {  	s3 =	sadd.s32 @!p0 $0x400, s3;
	[sflag:s9] =	ssyncadd.s32 @!p0 $0xFFFFE000;
	s9 =	simm.s32 @!p0 $0xC000  }
0x37: {  	[tilespmem:s9], [sflag:$0x7] =	stream.linear.gather @!p0 [hbm4b:s3+s8], $0x2000, $0x38;
	[tilespmem:$0x14000] =	vst v63  }
0x38: {  	_ =	swait.ge @!p0 [sflag:s7], $0x2000  }
0x39: {  	s3 =	sor.u32 @!p0 $0x100400, s0;
	s9 =	simm.s32 @!p0 $0x11;
	[sflag:s7] =	ssyncset.done @!p0 $0x0  }
0x3a: {  	s3 =	sadd.s32 @!p0 s1, s3;
	[sflag:s7] =	ssyncadd.s32 @!p0 $0xFFFFE000;
	s7 =	simm.s32 @!p0 $0xE000  }
0x3b: {  	[tilespmem:s7], [sflag:$0x8] =	stream.linear.gather @!p0 [hbm4b:s3+s8], $0x2000, $0x38;
	[tilespmem:$0x14000] =	vst v63  }
0x3c: {  	_ =	swait.ge @!p0 [sflag:s9], $0x2000  }
0x3d: {  	s3 =	sor.u32 $0x200400, s0;
	[sflag:s9] =	ssyncset.done @!p0 $0x0  }
0x3e: {  	s8 =	simm.s32 @!p0 $0x12;
	s14 =	sadd.s32 s1, s3;
	[sflag:s9] =	ssyncadd.s32 @!p0 $0xFFFFE000  }
0x3f: {  	[tilespmem:s21], [sflag:$0x9] =	stream.linear.gather [hbm4b:s14+s4], $0x2000, $0x38;
	[tilespmem:$0x14000] =	vst v63  }
0x40: {  	_ =	swait.ge @!p0 [sflag:s8], $0x2000  }
0x41: {  	s29 =	sor.u32 $0x300400, s0;
	[sflag:s8] =	ssyncset.done @!p0 $0x0  }
0x42: {  	s9 =	sadd.s32 s1, s29;
	s31 =	rddreg [dreg:$0x4];
	[sflag:s8] =	ssyncadd.s32 @!p0 $0xFFFFE000  }
0x43: {  	[tilespmem:s22], [sflag:$0xA] =	stream.linear.gather [hbm4b:s9+s4], $0x2000, $0x38;
	[tilespmem:$0x14000] =	vst v63  }
0x44: {  	s7 =	sadd.s32 $0x0, s31  }
0x45: {  	[hbm4b:s7+s4] =	stream.linear.scatter [tilespmem:s10], [sflag:$0xB], $0x2000, $0x38;
	[tilespmem:$0x14000] =	vst v63  }
0x46: {  	s10 =	sadd.s32 $0x100000, s7  }
0x47: {  	[hbm4b:s10+s4] =	stream.linear.scatter [tilespmem:s11], [sflag:$0xC], $0x2000, $0x38;
	[tilespmem:$0x14000] =	vst v63  }
0x48: {  	s11 =	sadd.s32 $0x200000, s7  }
0x49: {  	[hbm4b:s11+s4] =	stream.linear.scatter [tilespmem:s12], [sflag:$0xD], $0x2000, $0x38;
	[tilespmem:$0x14000] =	vst v63  }
0x4a: {  	p0 =	por $0x0, $0x0;
	s9 =	rddreg [dreg:$0x7];
	s7 =	sadd.s32 $0x300000, s7  }
0x4b: {  	[hbm4b:s7+s4] =	stream.linear.scatter [tilespmem:s13], [sflag:$0xE], $0x2000, $0x38;
	[tilespmem:$0x14000] =	vst v63  }
0x4c: {  	s8 =	simm.s32 @!p0 $0x0;
	s7 =	sadd.s32 @!p0 $0x0, s9  }
0x4d: {  	[tilespmem:s8], [sflag:$0x1] =	stream.linear.gather @!p0 [hbm4b:s7+s8], $0x2000, $0x38;
	[tilespmem:$0x14000] =	vst v63  }
0x4e: {  	_ =	swait.ge [sflag:s23], $0x2000  }
0x4f: {  	[sflag:s23] =	ssyncset.done $0x0  }
0x50: {  	[sflag:s23] =	ssyncadd.s32 $0xFFFFE000  }
0x51: {  	_ =	swait.ge [sflag:s24], $0x2000  }
0x52: {  	[sflag:s24] =	ssyncset.done $0x0  }
0x53: {  	[sflag:s24] =	ssyncadd.s32 $0xFFFFE000  }
0x54: {  	_ =	swait.ge [sflag:s25], $0x2000  }
0x55: {  	[sflag:s25] =	ssyncset.done $0x0  }
0x56: {  	[sflag:s25] =	ssyncadd.s32 $0xFFFFE000  }
0x57: {  	_ =	swait.ge [sflag:s26], $0x2000  }
0x58: {  	[sflag:s26] =	ssyncset.done $0x0  }
0x59: {  	[sflag:s26] =	ssyncadd.s32 $0xFFFFE000  }
0x5a: {  	_ =	swait.ge [sflag:s28], $0x2000  }
0x5b: {  	[sflag:s28] =	ssyncset.done $0x0  }
0x5c: {  	s7 =	simm.s32 @!p0 $0xB;
	[sflag:s28] =	ssyncadd.s32 $0xFFFFE000  }
0x5d: {  	_ =	swait.ge @!p0 [sflag:s7], $0x2000  }
0x5e: {  	s31 =	simm.s32 @!p0 $0xC;
	s9 =	sadd.s32 @!p0 $0x0, s6;
	[sflag:s7] =	ssyncset.done @!p0 $0x0  }
0x5f: {  	s30 =	sadd.s32 @!p0 $0x800, s9;
	[sflag:s7] =	ssyncadd.s32 @!p0 $0xFFFFE000;
	s7 =	simm.s32 @!p0 $0x4000  }
0x60: {  	[tilespmem:s7], [sflag:$0x3] =	stream.linear.gather @!p0 [hbm4b:s30+s8], $0x2000, $0x38;
	[tilespmem:$0x14000] =	vst v63  }
0x61: {  	_ =	swait.ge @!p0 [sflag:s31], $0x2000  }
0x62: {  	s7 =	sadd.s32 @!p0 $0x100800, s9;
	[sflag:s31] =	ssyncset.done @!p0 $0x0  }
0x63: {  	s30 =	sadd.s32 @!p0 $0x0, s5;
	[sflag:s31] =	ssyncadd.s32 @!p0 $0xFFFFE000;
	s31 =	simm.s32 @!p0 $0x6000  }
0x64: {  	[tilespmem:s31], [sflag:$0x4] =	stream.linear.gather @!p0 [hbm4b:s7+s8], $0x2000, $0x38;
	[tilespmem:$0x14000] =	vst v63  }
0x65: {  	s7 =	sadd.s32 @!p0 $0x800, s30;
	s30 =	simm.s32 @!p0 $0xD  }
0x66: {  	_ =	swait.ge @!p0 [sflag:s30], $0x2000  }
0x67: {  	s31 =	simm.s32 @!p0 $0xE;
	s7 =	sor.u32 @!p0 $0x200000, s7;
	[sflag:s30] =	ssyncset.done @!p0 $0x0  }
0x68: {  	s7 =	sadd.s32 @!p0 s1, s7;
	[sflag:s30] =	ssyncadd.s32 @!p0 $0xFFFFE000;
	s30 =	simm.s32 @!p0 $0x8000  }
0x69: {  	[tilespmem:s30], [sflag:$0x5] =	stream.linear.gather @!p0 [hbm4b:s7+s8], $0x2000, $0x38;
	[tilespmem:$0x14000] =	vst v63  }
0x6a: {  	_ =	swait.ge @!p0 [sflag:s31], $0x2000  }
0x6b: {  	s7 =	sadd.s32 @!p0 $0x300800, s9;
	[sflag:s31] =	ssyncset.done @!p0 $0x0  }
0x6c: {  	s13 =	rddreg [dreg:$0x6];
	[sflag:s31] =	ssyncadd.s32 @!p0 $0xFFFFE000;
	s31 =	simm.s32 @!p0 $0xA000  }
0x6d: {  	[tilespmem:s31], [sflag:$0x6] =	stream.linear.gather @!p0 [hbm4b:s7+s8], $0x2000, $0x38;
	[tilespmem:$0x14000] =	vst v63  }
0x6e: {  	s0 =	sor.u32 $0x100400, s0;
	s30 =	rddreg [dreg:$0x9];
	s14 =	sadd.s32 $0x0, s13  }
0x6f: {  	[hbm4b:s14+s4] =	stream.linear.scatter [tilespmem:s30], [sflag:$0xF], $0x2000, $0x38;
	[tilespmem:$0x14000] =	vst v63  }
0x70: {  	s0 =	sadd.s32 s2, s0;
	s31 =	rddreg [dreg:$0xa]  }
0x71: {  	[hbm4b:s0+s4] =	stream.linear.scatter [tilespmem:s31], [sflag:$0x10], $0x2000, $0x38;
	[tilespmem:$0x14000] =	vst v63  }
0x72: {  	s7 =	simm.s32 $0x800;
	s30 =	simm.s32 $0x1000;
	s0 =	sadd.s32 s2, s3  }
.LBB2_2:
0x73: {  	[hbm4b:s0+s4] =	stream.linear.scatter [tilespmem:s21], [sflag:$0x11], $0x2000, $0x38;
	[tilespmem:$0x14000] =	vst v63  }
0x74: {  	s3 =	rddreg [dreg:$0x5];
	s8 =	sadd.s32 s2, s29  }
0x75: {  	[hbm4b:s8+s4] =	stream.linear.scatter [tilespmem:s22], [sflag:$0x12], $0x2000, $0x38;
	[tilespmem:$0x14000] =	vst v63  }
0x76: {  	s9 =	rddreg [dreg:$0x8];
	s3 =	sadd.s32 s7, s3  }
0x77: {  	[tilespmem:s9], [sflag:$0x2] =	stream.linear.gather [hbm4b:s3+s4], $0x2000, $0x38;
	[tilespmem:$0x14000] =	vst v63  }
0x78: {  	_ =	swait.ge [sflag:s16], $0x2000  }
0x79: {  	[sflag:s16] =	ssyncset.done $0x0  }
0x7a: {  	[sflag:s16] =	ssyncadd.s32 $0xFFFFE000  }
0x7b: {  	_ =	swait.ge [sflag:s17], $0x2000  }
0x7c: {  	[sflag:s17] =	ssyncset.done $0x0  }
0x7d: {  	[sflag:s17] =	ssyncadd.s32 $0xFFFFE000  }
0x7e: {  	_ =	swait.ge [sflag:s18], $0x2000  }
0x7f: {  	[sflag:s18] =	ssyncset.done $0x0  }
0x80: {  	[sflag:s18] =	ssyncadd.s32 $0xFFFFE000  }
0x81: {  	_ =	swait.ge [sflag:s19], $0x2000  }
0x82: {  	[sflag:s19] =	ssyncset.done $0x0  }
0x83: {  	s0 =	sadd.s32 s7, s5;
	p1 =	seq.s32 s7, $0x0;
	[sflag:s19] =	ssyncadd.s32 $0xFFFFE000  }
0x84: {  	s29 =	sor.u32 @p1 $0x100400, s0;
	s10 =	sadd.s32 @!p1 s7, s6;
	_ =	swait.ge [sflag:s20], $0x2000  }
0x85: {  	s8 =	simm.s32 @p1 $0x0;
	s3 =	sadd.s32 @p1 s7, s6;
	[sflag:s20] =	ssyncset.done $0x0  }
0x86: {  	s9 =	simm.s32 @p1 $0xC000;
	s3 =	sadd.s32 @p1 $0x400, s3;
	[sflag:s20] =	ssyncadd.s32 $0xFFFFE000  }
0x87: {  	[tilespmem:s9], [sflag:$0x7] =	stream.linear.gather @p1 [hbm4b:s3+s8], $0x2000, $0x38;
	[tilespmem:$0x14000] =	vst v63  }
0x88: {  	s29 =	sadd.s32 @p1 s1, s29;
	s3 =	simm.s32 @p1 $0xE000;
	s9 =	simm.s32 @!p1 $0xF  }
0x89: {  	[tilespmem:s3], [sflag:$0x8] =	stream.linear.gather @p1 [hbm4b:s29+s8], $0x2000, $0x38;
	[tilespmem:$0x14000] =	vst v63  }
0x8a: {  	s11 =	sor.u32 @!p1 $0x100400, s0;
	s12 =	simm.s32 @!p1 $0xC000;
	_ =	swait.ge @!p1 [sflag:s9], $0x2000  }
0x8b: {  	s10 =	sadd.s32 @!p1 $0x400, s10;
	s8 =	sadd.s32 @!p1 s1, s11;
	[sflag:s9] =	ssyncset.done @!p1 $0x0  }
0x8c: {  	s11 =	simm.s32 @!p1 $0x10;
	[sflag:s9] =	ssyncadd.s32 @!p1 $0xFFFFE000;
	s9 =	simm.s32 @!p1 $0x0  }
0x8d: {  	[tilespmem:s12], [sflag:$0x7] =	stream.linear.gather @!p1 [hbm4b:s10+s9], $0x2000, $0x38;
	[tilespmem:$0x14000] =	vst v63  }
0x8e: {  	_ =	swait.ge @!p1 [sflag:s11], $0x2000  }
0x8f: {  	[sflag:s11] =	ssyncset.done @!p1 $0x0  }
0x90: {  	s10 =	simm.s32 @!p1 $0xE000;
	[sflag:s11] =	ssyncadd.s32 @!p1 $0xFFFFE000;
	s11 =	simm.s32 @!p1 $0x11  }
0x91: {  	[tilespmem:s10], [sflag:$0x8] =	stream.linear.gather @!p1 [hbm4b:s8+s9], $0x2000, $0x38;
	[tilespmem:$0x14000] =	vst v63  }
0x92: {  	_ =	swait.ge @!p1 [sflag:s11], $0x2000  }
0x93: {  	s3 =	sor.u32 $0x200400, s0;
	[sflag:s11] =	ssyncset.done @!p1 $0x0  }
0x94: {  	s10 =	sadd.s32 s1, s3;
	s9 =	simm.s32 @!p1 $0x12;
	[sflag:s11] =	ssyncadd.s32 @!p1 $0xFFFFE000  }
0x95: {  	[tilespmem:s21], [sflag:$0x9] =	stream.linear.gather [hbm4b:s10+s4], $0x2000, $0x38;
	[tilespmem:$0x14000] =	vst v63  }
0x96: {  	_ =	swait.ge @!p1 [sflag:s9], $0x2000  }
0x97: {  	s29 =	sor.u32 $0x300400, s0;
	[sflag:s9] =	ssyncset.done @!p1 $0x0  }
0x98: {  	s12 =	sadd.s32 s1, s29;
	s11 =	rddreg [dreg:$0x4];
	[sflag:s9] =	ssyncadd.s32 @!p1 $0xFFFFE000  }
0x99: {  	[tilespmem:s22], [sflag:$0xA] =	stream.linear.gather [hbm4b:s12+s4], $0x2000, $0x38;
	[tilespmem:$0x14000] =	vst v63  }
0x9a: {  	s8 =	sadd.s32 s7, s11  }
0x9b: {  	[hbm4b:s8+s4] =	stream.linear.scatter [tilespmem:s15], [sflag:$0xB], $0x2000, $0x38;
	[tilespmem:$0x14000] =	vst v63  }
0x9c: {  	s14 =	simm.s32 $0x6000;
	s13 =	sadd.s32 $0x100000, s8  }
0x9d: {  	[hbm4b:s13+s4] =	stream.linear.scatter [tilespmem:s14], [sflag:$0xC], $0x2000, $0x38;
	[tilespmem:$0x14000] =	vst v63  }
0x9e: {  	s10 =	rddreg [dreg:$0x7];
	s11 =	sadd.s32 $0x200000, s8;
	s12 =	simm.s32 $0x8000  }
0x9f: {  	[hbm4b:s11+s4] =	stream.linear.scatter [tilespmem:s12], [sflag:$0xD], $0x2000, $0x38;
	[tilespmem:$0x14000] =	vst v63  }
0xa0: {  	p1 =	seq.s32 s7, $0x7800;
	s8 =	sadd.s32 $0x300000, s8;
	s13 =	simm.s32 $0xA000  }
0xa1: {  	[hbm4b:s8+s4] =	stream.linear.scatter [tilespmem:s13], [sflag:$0xE], $0x2000, $0x38;
	[tilespmem:$0x14000] =	vst v63  }
0xa2: {  	s9 =	sadd.s32 @!p1 s7, s10;
	s8 =	simm.s32 @!p1 $0x0  }
0xa3: {  	[tilespmem:s8], [sflag:$0x1] =	stream.linear.gather @!p1 [hbm4b:s9+s8], $0x2000, $0x38;
	[tilespmem:$0x14000] =	vst v63  }
0xa4: {  	_ =	swait.ge [sflag:s23], $0x2000  }
0xa5: {  	[sflag:s23] =	ssyncset.done $0x0  }
0xa6: {  	[sflag:s23] =	ssyncadd.s32 $0xFFFFE000  }
0xa7: {  	_ =	swait.ge [sflag:s24], $0x2000  }
0xa8: {  	[sflag:s24] =	ssyncset.done $0x0  }
0xa9: {  	[sflag:s24] =	ssyncadd.s32 $0xFFFFE000  }
0xaa: {  	_ =	swait.ge [sflag:s25], $0x2000  }
0xab: {  	[sflag:s25] =	ssyncset.done $0x0  }
0xac: {  	[sflag:s25] =	ssyncadd.s32 $0xFFFFE000  }
0xad: {  	_ =	swait.ge [sflag:s26], $0x2000  }
0xae: {  	[sflag:s26] =	ssyncset.done $0x0  }
0xaf: {  	s10 =	sadd.s32 @!p1 s7, s6;
	[sflag:s26] =	ssyncadd.s32 $0xFFFFE000  }
0xb0: {  	s11 =	sadd.s32 @!p1 $0x800, s10;
	s12 =	sadd.s32 @!p1 $0x100800, s10;
	_ =	swait.ge [sflag:s28], $0x2000  }
0xb1: {  	s13 =	sadd.s32 @!p1 s7, s5;
	s9 =	sadd.s32 @!p1 $0x300800, s10;
	[sflag:s28] =	ssyncset.done $0x0  }
0xb2: {  	s10 =	sadd.s32 @!p1 $0x800, s13;
	s13 =	simm.s32 @!p1 $0xB;
	[sflag:s28] =	ssyncadd.s32 $0xFFFFE000  }
0xb3: {  	_ =	swait.ge @!p1 [sflag:s13], $0x2000  }
0xb4: {  	[sflag:s13] =	ssyncset.done @!p1 $0x0  }
0xb5: {  	s14 =	simm.s32 @!p1 $0xC;
	[sflag:s13] =	ssyncadd.s32 @!p1 $0xFFFFE000;
	s13 =	simm.s32 @!p1 $0x4000  }
0xb6: {  	[tilespmem:s13], [sflag:$0x3] =	stream.linear.gather @!p1 [hbm4b:s11+s8], $0x2000, $0x38;
	[tilespmem:$0x14000] =	vst v63  }
0xb7: {  	_ =	swait.ge @!p1 [sflag:s14], $0x2000  }
0xb8: {  	[sflag:s14] =	ssyncset.done @!p1 $0x0  }
0xb9: {  	s11 =	simm.s32 @!p1 $0x6000;
	s13 =	simm.s32 @!p1 $0xD;
	[sflag:s14] =	ssyncadd.s32 @!p1 $0xFFFFE000  }
0xba: {  	[tilespmem:s11], [sflag:$0x4] =	stream.linear.gather @!p1 [hbm4b:s12+s8], $0x2000, $0x38;
	[tilespmem:$0x14000] =	vst v63  }
0xbb: {  	s10 =	sor.u32 @!p1 $0x200000, s10;
	_ =	swait.ge @!p1 [sflag:s13], $0x2000  }
0xbc: {  	s10 =	sadd.s32 @!p1 s1, s10;
	[sflag:s13] =	ssyncset.done @!p1 $0x0  }
0xbd: {  	s11 =	simm.s32 @!p1 $0x8000;
	s12 =	simm.s32 @!p1 $0xE;
	[sflag:s13] =	ssyncadd.s32 @!p1 $0xFFFFE000  }
0xbe: {  	[tilespmem:s11], [sflag:$0x5] =	stream.linear.gather @!p1 [hbm4b:s10+s8], $0x2000, $0x38;
	[tilespmem:$0x14000] =	vst v63  }
0xbf: {  	_ =	swait.ge @!p1 [sflag:s12], $0x2000  }
0xc0: {  	s31 =	smov.u32 s30;
	s30 =	sadd.s32 $0x800, s30;
	[sflag:s12] =	ssyncset.done @!p1 $0x0  }
0xc1: {  	p0 =	sne.s32 s30, $0x8000;
	s11 =	simm.s32 @!p1 $0xA000;
	[sflag:s12] =	ssyncadd.s32 @!p1 $0xFFFFE000  }
0xc2: {  	[tilespmem:s11], [sflag:$0x6] =	stream.linear.gather @!p1 [hbm4b:s9+s8], $0x2000, $0x38;
	[tilespmem:$0x14000] =	vst v63  }
.Ltmp0:
0xc3: {  	s0 =	sor.u32 $0x100400, s0;
	s14 =	rddreg [dreg:$0x6];
	(pc) =	sbr.rel @p0 .LBB2_2-.Ltmp0, $4  }
0xc4: {  	s13 =	sadd.s32 s2, s0;
	s10 =	rddreg [dreg:$0x9];
	s12 =	sadd.s32 s7, s14  }
0xc5: {  	[hbm4b:s12+s4] =	stream.linear.scatter [tilespmem:s10], [sflag:$0xF], $0x2000, $0x38;
	[tilespmem:$0x14000] =	vst v63  }
0xc6: {  	s0 =	sadd.s32 s2, s3;
	s14 =	rddreg [dreg:$0xa];
	s7 =	smov.u32 s31  }
0xc7: {  	[hbm4b:s13+s4] =	stream.linear.scatter [tilespmem:s14], [sflag:$0x10], $0x2000, $0x38;
	[tilespmem:$0x14000] =	vst v63  }
0xc8: {  	[hbm4b:s0+s4] =	stream.linear.scatter [tilespmem:s21], [sflag:$0x11], $0x2000, $0x38;
	[tilespmem:$0x14000] =	vst v63  }
0xc9: {  	s3 =	rddreg [dreg:$0x5];
	s11 =	sadd.s32 s2, s29  }
0xca: {  	[hbm4b:s11+s4] =	stream.linear.scatter [tilespmem:s22], [sflag:$0x12], $0x2000, $0x38;
	[tilespmem:$0x14000] =	vst v63  }
0xcb: {  	s8 =	rddreg [dreg:$0x8];
	s12 =	sadd.s32 s7, s3  }
0xcc: {  	[tilespmem:s8], [sflag:$0x2] =	stream.linear.gather [hbm4b:s12+s4], $0x2000, $0x38;
	[tilespmem:$0x14000] =	vst v63  }
0xcd: {  	_ =	swait.ge [sflag:s16], $0x2000  }
0xce: {  	[sflag:s16] =	ssyncset.done $0x0  }
0xcf: {  	[sflag:s16] =	ssyncadd.s32 $0xFFFFE000  }
0xd0: {  	_ =	swait.ge [sflag:s17], $0x2000  }
0xd1: {  	[sflag:s17] =	ssyncset.done $0x0  }
0xd2: {  	[sflag:s17] =	ssyncadd.s32 $0xFFFFE000  }
0xd3: {  	_ =	swait.ge [sflag:s18], $0x2000  }
0xd4: {  	[sflag:s18] =	ssyncset.done $0x0  }
0xd5: {  	[sflag:s18] =	ssyncadd.s32 $0xFFFFE000  }
0xd6: {  	_ =	swait.ge [sflag:s19], $0x2000  }
0xd7: {  	[sflag:s19] =	ssyncset.done $0x0  }
0xd8: {  	p0 =	seq.s32 s7, $0x0;
	[sflag:s19] =	ssyncadd.s32 $0xFFFFE000  }
0xd9: {  	s0 =	sadd.s32 s7, s5;
	s3 =	sadd.s32 @p0 s7, s6;
	_ =	swait.ge [sflag:s20], $0x2000  }
0xda: {  	s9 =	simm.s32 @p0 $0xC000;
	s10 =	sor.u32 @p0 $0x100400, s0;
	[sflag:s20] =	ssyncset.done $0x0  }
0xdb: {  	s3 =	sadd.s32 @p0 $0x400, s3;
	s8 =	simm.s32 @p0 $0x0;
	[sflag:s20] =	ssyncadd.s32 $0xFFFFE000  }
0xdc: {  	[tilespmem:s9], [sflag:$0x7] =	stream.linear.gather @p0 [hbm4b:s3+s8], $0x2000, $0x38;
	[tilespmem:$0x14000] =	vst v63  }
0xdd: {  	s3 =	sadd.s32 @p0 s1, s10;
	s9 =	simm.s32 @p0 $0xE000;
	s10 =	simm.s32 @!p0 $0xF  }
0xde: {  	[tilespmem:s9], [sflag:$0x8] =	stream.linear.gather @p0 [hbm4b:s3+s8], $0x2000, $0x38;
	[tilespmem:$0x14000] =	vst v63  }
0xdf: {  	s3 =	sadd.s32 @!p0 s7, s6;
	_ =	swait.ge @!p0 [sflag:s10], $0x2000  }
0xe0: {  	s8 =	simm.s32 @!p0 $0x10;
	s9 =	simm.s32 @!p0 $0x0;
	[sflag:s10] =	ssyncset.done @!p0 $0x0  }
0xe1: {  	s3 =	sadd.s32 @!p0 $0x400, s3;
	[sflag:s10] =	ssyncadd.s32 @!p0 $0xFFFFE000;
	s10 =	simm.s32 @!p0 $0xC000  }
0xe2: {  	[tilespmem:s10], [sflag:$0x7] =	stream.linear.gather @!p0 [hbm4b:s3+s9], $0x2000, $0x38;
	[tilespmem:$0x14000] =	vst v63  }
0xe3: {  	_ =	swait.ge @!p0 [sflag:s8], $0x2000  }
0xe4: {  	s3 =	sor.u32 @!p0 $0x100400, s0;
	s10 =	simm.s32 @!p0 $0x11;
	[sflag:s8] =	ssyncset.done @!p0 $0x0  }
0xe5: {  	s3 =	sadd.s32 @!p0 s1, s3;
	[sflag:s8] =	ssyncadd.s32 @!p0 $0xFFFFE000;
	s8 =	simm.s32 @!p0 $0xE000  }
0xe6: {  	[tilespmem:s8], [sflag:$0x8] =	stream.linear.gather @!p0 [hbm4b:s3+s9], $0x2000, $0x38;
	[tilespmem:$0x14000] =	vst v63  }
0xe7: {  	_ =	swait.ge @!p0 [sflag:s10], $0x2000  }
0xe8: {  	s3 =	sor.u32 $0x200400, s0;
	[sflag:s10] =	ssyncset.done @!p0 $0x0  }
0xe9: {  	s9 =	simm.s32 @!p0 $0x12;
	s13 =	sadd.s32 s1, s3;
	[sflag:s10] =	ssyncadd.s32 @!p0 $0xFFFFE000  }
0xea: {  	[tilespmem:s21], [sflag:$0x9] =	stream.linear.gather [hbm4b:s13+s4], $0x2000, $0x38;
	[tilespmem:$0x14000] =	vst v63  }
0xeb: {  	_ =	swait.ge @!p0 [sflag:s9], $0x2000  }
0xec: {  	s8 =	sor.u32 $0x300400, s0;
	[sflag:s9] =	ssyncset.done @!p0 $0x0  }
0xed: {  	s29 =	sadd.s32 s1, s8;
	s14 =	rddreg [dreg:$0x4];
	[sflag:s9] =	ssyncadd.s32 @!p0 $0xFFFFE000  }
0xee: {  	[tilespmem:s22], [sflag:$0xA] =	stream.linear.gather [hbm4b:s29+s4], $0x2000, $0x38;
	[tilespmem:$0x14000] =	vst v63  }
0xef: {  	s30 =	sadd.s32 s7, s14  }
0xf0: {  	[hbm4b:s30+s4] =	stream.linear.scatter [tilespmem:s15], [sflag:$0xB], $0x2000, $0x38;
	[tilespmem:$0x14000] =	vst v63  }
0xf1: {  	s11 =	simm.s32 $0x6000;
	s10 =	sadd.s32 $0x100000, s30  }
0xf2: {  	[hbm4b:s10+s4] =	stream.linear.scatter [tilespmem:s11], [sflag:$0xC], $0x2000, $0x38;
	[tilespmem:$0x14000] =	vst v63  }
0xf3: {  	s12 =	simm.s32 $0x8000;
	s13 =	simm.s32 $0xA000;
	s31 =	sadd.s32 $0x200000, s30  }
0xf4: {  	[hbm4b:s31+s4] =	stream.linear.scatter [tilespmem:s12], [sflag:$0xD], $0x2000, $0x38;
	[tilespmem:$0x14000] =	vst v63  }
0xf5: {  	p0 =	seq.s32 s7, $0x7800;
	s9 =	sadd.s32 $0x300000, s30;
	s11 =	rddreg [dreg:$0x7]  }
0xf6: {  	[hbm4b:s9+s4] =	stream.linear.scatter [tilespmem:s13], [sflag:$0xE], $0x2000, $0x38;
	[tilespmem:$0x14000] =	vst v63  }
0xf7: {  	s10 =	simm.s32 @!p0 $0x0;
	s9 =	sadd.s32 @!p0 s7, s11  }
0xf8: {  	[tilespmem:s10], [sflag:$0x1] =	stream.linear.gather @!p0 [hbm4b:s9+s10], $0x2000, $0x38;
	[tilespmem:$0x14000] =	vst v63  }
0xf9: {  	_ =	swait.ge [sflag:s23], $0x2000  }
0xfa: {  	[sflag:s23] =	ssyncset.done $0x0  }
0xfb: {  	[sflag:s23] =	ssyncadd.s32 $0xFFFFE000  }
0xfc: {  	_ =	swait.ge [sflag:s24], $0x2000  }
0xfd: {  	[sflag:s24] =	ssyncset.done $0x0  }
0xfe: {  	[sflag:s24] =	ssyncadd.s32 $0xFFFFE000  }
0xff: {  	_ =	swait.ge [sflag:s25], $0x2000  }
0x100: {  	[sflag:s25] =	ssyncset.done $0x0  }
0x101: {  	[sflag:s25] =	ssyncadd.s32 $0xFFFFE000  }
0x102: {  	_ =	swait.ge [sflag:s26], $0x2000  }
0x103: {  	[sflag:s26] =	ssyncset.done $0x0  }
0x104: {  	[sflag:s26] =	ssyncadd.s32 $0xFFFFE000  }
0x105: {  	_ =	swait.ge [sflag:s28], $0x2000  }
0x106: {  	[sflag:s28] =	ssyncset.done $0x0  }
0x107: {  	s9 =	simm.s32 @!p0 $0xB;
	[sflag:s28] =	ssyncadd.s32 $0xFFFFE000  }
0x108: {  	_ =	swait.ge @!p0 [sflag:s9], $0x2000  }
0x109: {  	s11 =	sadd.s32 @!p0 s7, s6;
	s13 =	simm.s32 @!p0 $0xC;
	[sflag:s9] =	ssyncset.done @!p0 $0x0  }
0x10a: {  	s12 =	sadd.s32 @!p0 $0x800, s11;
	[sflag:s9] =	ssyncadd.s32 @!p0 $0xFFFFE000;
	s9 =	simm.s32 @!p0 $0x4000  }
0x10b: {  	[tilespmem:s9], [sflag:$0x3] =	stream.linear.gather @!p0 [hbm4b:s12+s10], $0x2000, $0x38;
	[tilespmem:$0x14000] =	vst v63  }
0x10c: {  	_ =	swait.ge @!p0 [sflag:s13], $0x2000  }
0x10d: {  	s9 =	sadd.s32 @!p0 $0x100800, s11;
	[sflag:s13] =	ssyncset.done @!p0 $0x0  }
0x10e: {  	s12 =	sadd.s32 @!p0 s7, s5;
	[sflag:s13] =	ssyncadd.s32 @!p0 $0xFFFFE000;
	s13 =	simm.s32 @!p0 $0x6000  }
0x10f: {  	[tilespmem:s13], [sflag:$0x4] =	stream.linear.gather @!p0 [hbm4b:s9+s10], $0x2000, $0x38;
	[tilespmem:$0x14000] =	vst v63  }
0x110: {  	s9 =	sadd.s32 @!p0 $0x800, s12;
	s12 =	simm.s32 @!p0 $0xD  }
0x111: {  	_ =	swait.ge @!p0 [sflag:s12], $0x2000  }
0x112: {  	s13 =	simm.s32 @!p0 $0xE;
	s9 =	sor.u32 @!p0 $0x200000, s9;
	[sflag:s12] =	ssyncset.done @!p0 $0x0  }
0x113: {  	s9 =	sadd.s32 @!p0 s1, s9;
	[sflag:s12] =	ssyncadd.s32 @!p0 $0xFFFFE000;
	s12 =	simm.s32 @!p0 $0x8000  }
0x114: {  	[tilespmem:s12], [sflag:$0x5] =	stream.linear.gather @!p0 [hbm4b:s9+s10], $0x2000, $0x38;
	[tilespmem:$0x14000] =	vst v63  }
0x115: {  	_ =	swait.ge @!p0 [sflag:s13], $0x2000  }
0x116: {  	s9 =	sadd.s32 @!p0 $0x300800, s11;
	[sflag:s13] =	ssyncset.done @!p0 $0x0  }
0x117: {  	s14 =	rddreg [dreg:$0x6];
	[sflag:s13] =	ssyncadd.s32 @!p0 $0xFFFFE000;
	s13 =	simm.s32 @!p0 $0xA000  }
0x118: {  	[tilespmem:s13], [sflag:$0x6] =	stream.linear.gather @!p0 [hbm4b:s9+s10], $0x2000, $0x38;
	[tilespmem:$0x14000] =	vst v63  }
0x119: {  	s0 =	sor.u32 $0x100400, s0;
	s29 =	rddreg [dreg:$0x9];
	s30 =	sadd.s32 s7, s14  }
0x11a: {  	[hbm4b:s30+s4] =	stream.linear.scatter [tilespmem:s29], [sflag:$0xF], $0x2000, $0x38;
	[tilespmem:$0x14000] =	vst v63  }
0x11b: {  	s0 =	sadd.s32 s2, s0;
	s31 =	rddreg [dreg:$0xa]  }
0x11c: {  	[hbm4b:s0+s4] =	stream.linear.scatter [tilespmem:s31], [sflag:$0x10], $0x2000, $0x38;
	[tilespmem:$0x14000] =	vst v63  }
0x11d: {  	s3 =	sadd.s32 s2, s3  }
0x11e: {  	[hbm4b:s3+s4] =	stream.linear.scatter [tilespmem:s21], [sflag:$0x11], $0x2000, $0x38;
	[tilespmem:$0x14000] =	vst v63  }
0x11f: {  	s7 =	sadd.s32 s2, s8;
	s8 =	simm.s32 $0xB  }
0x120: {  	[hbm4b:s7+s4] =	stream.linear.scatter [tilespmem:s22], [sflag:$0x12], $0x2000, $0x38;
	[tilespmem:$0x14000] =	vst v63  }
0x121: {  	_ =	swait.ge [sflag:s8], $0x2000  }
0x122: {  	[sflag:s8] =	ssyncset.done $0x0  }
0x123: {  	s9 =	simm.s32 $0xC;
	[sflag:s8] =	ssyncadd.s32 $0xFFFFE000  }
0x124: {  	_ =	swait.ge [sflag:s9], $0x2000  }
0x125: {  	[sflag:s9] =	ssyncset.done $0x0  }
0x126: {  	s10 =	simm.s32 $0xD;
	[sflag:s9] =	ssyncadd.s32 $0xFFFFE000  }
0x127: {  	_ =	swait.ge [sflag:s10], $0x2000  }
0x128: {  	[sflag:s10] =	ssyncset.done $0x0  }
0x129: {  	s11 =	simm.s32 $0xE;
	[sflag:s10] =	ssyncadd.s32 $0xFFFFE000  }
0x12a: {  	_ =	swait.ge [sflag:s11], $0x2000  }
0x12b: {  	[sflag:s11] =	ssyncset.done $0x0  }
0x12c: {  	s12 =	simm.s32 $0xF;
	[sflag:s11] =	ssyncadd.s32 $0xFFFFE000  }
0x12d: {  	_ =	swait.ge [sflag:s12], $0x2000  }
0x12e: {  	[sflag:s12] =	ssyncset.done $0x0  }
0x12f: {  	s13 =	simm.s32 $0x10;
	[sflag:s12] =	ssyncadd.s32 $0xFFFFE000  }
0x130: {  	_ =	swait.ge [sflag:s13], $0x2000  }
0x131: {  	[sflag:s13] =	ssyncset.done $0x0  }
0x132: {  	s14 =	simm.s32 $0x11;
	[sflag:s13] =	ssyncadd.s32 $0xFFFFE000  }
0x133: {  	_ =	swait.ge [sflag:s14], $0x2000  }
0x134: {  	[sflag:s14] =	ssyncset.done $0x0  }
0x135: {  	s29 =	simm.s32 $0x12;
	[sflag:s14] =	ssyncadd.s32 $0xFFFFE000  }
0x136: {  	_ =	swait.ge [sflag:s29], $0x2000  }
0x137: {  	s30 =	rddreg [dreg:$0x10]  }
0x138: {  	s31 =	rddreg [dreg:$0xf];
	s7 =	sadd.s32 $0x1, s30  }
0x139: {  	p0 =	sne.s32 s7, s31  }
.Ltmp1:
0x13a: {  	_ = 	snop;
	(pc) =	sbr.rel @p0 .LBB2_1-.Ltmp1, $3  }
0x13b: {  	_ =	sdelay $0x1  }
0x13c: {  	[sflag:s29] =	ssyncset.done $0x0  }
0x13d: {  	[sflag:s29] =	ssyncadd.s32 $0xFFFFE000  }
0x13e: {  	_ =	sfence.sel $0x180000  }
0x13f: {  	[bflag:$0x0] =	sbarrier.arrive $0xFFFF  }
0x140: {  	_ =	strace $0x90000047  }
0x141: {  	s0 =	stileid.u32;
	[bflag:$0x2] =	sbarrier.arrive $0xFFFF  }
0x142: {  	p0 =	sne.s32 s0, $0x0;
	s0 =	rddreg [dreg:$0x3]  }
0x143: {  	s0 =	sadd.s32 @!p0 $0x100000, s0  }
0x144: {  	[sflag:s0] =	ssyncadd.tile.s32 @!p0 $0x1;
	_ =	shalt  }
.Lfunc_end2:
_tile_overlayer_lowered:
.L_overlay_start_2:
0x145: {  	(tag) =	ssettag $0x2  }
0x146: {  	s0 =	rddreg [dreg:$0x0];
	s2 =	stileid.u32  }
0x147: {  	s1 =	rddreg [dreg:$0x1];
	p0 =	sne.s32 s2, $0x0  }
0x148: {  	s3 =	rddreg [dreg:$0x2];
	[bflag:$0x3] =	sbarrier.arrive $0xFFFF;
	s2 =	simm.s32 @!p0 $0x1C13  }
0x149: {  	[timem:s3], [sflag:s2] =	dma.local @!p0 [hbm:s0], s1  }
0x14a: {  	s0 =	simm.s32 @!p0 $0x13  }
0x14b: {  	_ =	swait.ge @!p0 [sflag:s0], s1  }
0x14c: {  	s1 =	ssub.s32 @!p0 $0x0, s1;
	[sflag:s0] =	ssyncset.done @!p0 $0x0  }
0x14d: {  	[sflag:s0] =	ssyncadd.s32 @!p0 s1  }
0x14e: {  	[bflag:$0x3] =	sbarrier.arrive $0xFFFF  }
0x14f: {  	_ =	shalt  }

</sc_bundles>
